<compile_context>
chip_gen: v7x
topology: tpu7x:2x2x1
jax: 0.10.2.dev20260603
libtpu: 0.0.44.dev20260713+nightly
codegen_flags: <defaults>
</compile_context>

<pallas_src>
import functools

import jax
import jax.numpy as jnp
from jax import lax
from jax.experimental import pallas as pl
from jax.experimental.pallas import tpu as pltpu
from jax.experimental.pallas import tpu_sc as plsc

N = 10000
E = 320000
D = 128
A = 16
B = 8
T = 16
H = 2
INV_AVG = 1.0 / 32.0

NTILES = 16
EDGES_PER_TILE = E // NTILES
K = 80
NB = EDGES_PER_TILE // K
ACC_ROWS = 10240


def _edge_coeff_body(ee_ref, ea_ref, we1_ref, we2_ref, p_ref, out_ref):
    ee = ee_ref[...]
    hid = jnp.dot(ee, we1_ref[...], preferred_element_type=jnp.float32)
    hid = hid * jax.nn.sigmoid(hid)
    ew = jnp.dot(hid, we2_ref[...], preferred_element_type=jnp.float32)
    ea = ea_ref[...]
    for h in range(H):
        gate = jnp.dot(ea, p_ref[h], preferred_element_type=jnp.float32)
        out_ref[h] = ew * gate * INV_AVG


def _edge_coeff(ee, ea, We1, We2, P):
    blk = 2000
    grid = (E // blk,)
    return pl.pallas_call(
        _edge_coeff_body,
        grid=grid,
        in_specs=[
            pl.BlockSpec((blk, B), lambda e: (e, 0)),
            pl.BlockSpec((blk, A), lambda e: (e, 0)),
            pl.BlockSpec((B, B), lambda e: (0, 0)),
            pl.BlockSpec((B, D), lambda e: (0, 0)),
            pl.BlockSpec((H, A, D), lambda e: (0, 0, 0)),
        ],
        out_specs=pl.BlockSpec((H, blk, D), lambda e: (0, e, 0)),
        out_shape=jax.ShapeDtypeStruct((H, E, D), jnp.float32),
    )(ee, ea, We1, We2, P)


def _x1_body(x_ref, w_ref, out_ref):
    out_ref[...] = jnp.dot(x_ref[...], w_ref[...],
                           preferred_element_type=jnp.float32)


def _x1(x, W1):
    blk = 1000
    return pl.pallas_call(
        _x1_body,
        grid=(N // blk,),
        in_specs=[
            pl.BlockSpec((blk, D), lambda i: (i, 0)),
            pl.BlockSpec((D, D), lambda i: (0, 0)),
        ],
        out_specs=pl.BlockSpec((blk, D), lambda i: (i, 0)),
        out_shape=jax.ShapeDtypeStruct((N, D), jnp.float32),
    )(x, W1)


def _sc_body(x1_hbm, c_hbm, src_hbm, dst_hbm, out_hbm,
             s0, s1, d0, d1, g0, g1, c0, c1, acc_sh,
             gsem0, gsem1, csem0, csem1, isem0, isem1):
    h = lax.axis_index("c")
    s = lax.axis_index("s")
    SV = (s0, s1)
    DV = (d0, d1)
    G = (g0, g1)
    C = (c0, c1)
    GS = (gsem0, gsem1)
    CS = (csem0, csem1)
    IS = (isem0, isem1)

    def _zrow(i, carry):
        for j in range(D // 16):
            c0[i, pl.ds(j * 16, 16)] = jnp.zeros((16,), jnp.float32)
        return carry
    lax.fori_loop(0, K, _zrow, 0)
    for kk in range(8):
        pltpu.sync_copy(c0, acc_sh.at[pl.ds(s * 640 + kk * K, K)])
    plsc.subcore_barrier()

    e_base = s * EDGES_PER_TILE

    def _issue_idx(b, buf):
        pltpu.async_copy(src_hbm.at[pl.ds(e_base + b * K, K)], SV[buf], IS[buf])
        pltpu.async_copy(dst_hbm.at[pl.ds(e_base + b * K, K)], DV[buf], IS[buf])

    def _wait_idx(b, buf):
        pltpu.make_async_copy(src_hbm.at[pl.ds(e_base + b * K, K)],
                              SV[buf], IS[buf]).wait()
        pltpu.make_async_copy(dst_hbm.at[pl.ds(e_base + b * K, K)],
                              DV[buf], IS[buf]).wait()

    def _issue_main(b, buf):
        pltpu.async_copy(x1_hbm.at[SV[buf]], G[buf], GS[buf])
        pltpu.async_copy(c_hbm.at[pl.ds(h * E + e_base + b * K, K)],
                         C[buf], CS[buf])

    _issue_idx(0, 0)
    _issue_idx(1, 1)
    _wait_idx(0, 0)
    _issue_main(0, 0)

    def _pair(t, carry):
        for buf in range(2):
            b = 2 * t + buf
            nbuf = 1 - buf

            @pl.when(b + 1 < NB)
            def _nxt():
                _wait_idx(b + 1, nbuf)
                _issue_main(b + 1, nbuf)

            pltpu.make_async_copy(x1_hbm.at[SV[buf]], G[buf], GS[buf]).wait()
            pltpu.make_async_copy(c_hbm.at[pl.ds(h * E + e_base + b * K, K)],
                                  C[buf], CS[buf]).wait()

            def _mrow(i, c2):
                for j in range(D // 16):
                    sl = pl.ds(j * 16, 16)
                    G[buf][i, sl] = G[buf][i, sl] * C[buf][i, sl]
                return c2
            lax.fori_loop(0, K, _mrow, 0, unroll=2)

            pltpu.sync_copy(G[buf], acc_sh.at[DV[buf]], add=True)

            @pl.when(b + 2 < NB)
            def _nxt_idx():
                _issue_idx(b + 2, buf)
        return carry

    lax.fori_loop(0, NB // 2, _pair, 0)
    plsc.subcore_barrier()

    for kk in range(5):
        cid = s + NTILES * kk
        @pl.when(cid < 78)
        def _copy():
            r0 = cid * 128
            pltpu.sync_copy(acc_sh.at[pl.ds(r0, 128)],
                            out_hbm.at[pl.ds(h * N + r0, 128)])

    @pl.when(s == 14)
    def _copy_tail():
        pltpu.sync_copy(acc_sh.at[pl.ds(9984, 16)],
                        out_hbm.at[pl.ds(h * N + 9984, 16)])


def _sc_scatter(x1, c2d, src, dst):
    mesh = plsc.VectorSubcoreMesh(core_axis_name="c", subcore_axis_name="s")
    f = pl.kernel(
        _sc_body,
        out_type=jax.ShapeDtypeStruct((H * N, D), jnp.float32),
        mesh=mesh,
        scratch_types=[
            pltpu.VMEM((K,), jnp.int32),
            pltpu.VMEM((K,), jnp.int32),
            pltpu.VMEM((K,), jnp.int32),
            pltpu.VMEM((K,), jnp.int32),
            pltpu.VMEM((K, D), jnp.float32),
            pltpu.VMEM((K, D), jnp.float32),
            pltpu.VMEM((K, D), jnp.float32),
            pltpu.VMEM((K, D), jnp.float32),
            pltpu.VMEM_SHARED((ACC_ROWS, D), jnp.float32),
            pltpu.SemaphoreType.DMA,
            pltpu.SemaphoreType.DMA,
            pltpu.SemaphoreType.DMA,
            pltpu.SemaphoreType.DMA,
            pltpu.SemaphoreType.DMA,
            pltpu.SemaphoreType.DMA,
        ],
    )
    return f(x1, c2d, src, dst)


def _final_body(x_ref, na_ref, agg_ref, w2_ref, wsc_ref, out_ref):
    x = x_ref[...]
    na = na_ref[...]
    for h in range(H):
        r = jnp.dot(agg_ref[h], w2_ref[h], preferred_element_type=jnp.float32)
        for t in range(T):
            r = r + na[:, t:t + 1] * jnp.dot(
                x, wsc_ref[h, t], preferred_element_type=jnp.float32)
        out_ref[h] = r * jax.nn.sigmoid(r)


def _final(x, na, agg, W2, WscT):
    blk = 1000
    return pl.pallas_call(
        _final_body,
        grid=(N // blk,),
        in_specs=[
            pl.BlockSpec((blk, D), lambda i: (i, 0)),
            pl.BlockSpec((blk, T), lambda i: (i, 0)),
            pl.BlockSpec((H, blk, D), lambda i: (0, i, 0)),
            pl.BlockSpec((H, D, D), lambda i: (0, 0, 0)),
            pl.BlockSpec((H, T, D, D), lambda i: (0, 0, 0, 0)),
        ],
        out_specs=pl.BlockSpec((H, blk, D), lambda i: (0, i, 0)),
        out_shape=jax.ShapeDtypeStruct((H, N, D), jnp.float32),
    )(x, na, agg, W2, WscT)


def kernel(x, node_attrs, edge_embedding, edge_attr, edge_index,
           W1, We1, We2, P, W2, Wsc):
    src = edge_index[0]
    dst = edge_index[1]
    c = _edge_coeff(edge_embedding, edge_attr, We1, We2, P)
    x1 = _x1(x, W1)
    agg2d = _sc_scatter(x1, c.reshape(H * E, D), src, dst)
    agg = agg2d.reshape(H, N, D)
    WscT = jnp.transpose(Wsc, (0, 2, 1, 3))
    return _final(x, node_attrs, agg, W2, WscT)

# --- scband reference (transcript-rebuilt; emitter-appended) ---
"""Pipeline reference for scband-per-head-conv-net-layer-78580721647666 (READ-ONLY COPY).

The authoritative reference and input builder live on the scoring server;
editing this copy changes nothing except your own understanding.
"""

import jax, jax.numpy as jnp
import numpy as np

N = 10000
E = 320000
D = 128
A = 16  # edge_attr dim
B = 8   # edge embedding (radial basis) dim
T = 16  # node_attrs dim
H = 2   # number of heads
AVG_NUM_NEIGHBORS = 32.0


def setup_inputs(seed: int = 0) -> dict:
    key = jax.random.key(seed)
    ks = jax.random.split(key, 12)
    x = jax.random.normal(ks[0], (N, D), dtype=jnp.float32)
    node_attrs = jax.random.uniform(ks[1], (N, T), dtype=jnp.float32)
    edge_index = jax.random.randint(ks[2], (2, E), 0, N)
    edge_embedding = jax.random.uniform(ks[3], (E, B), dtype=jnp.float32)
    edge_attr = jax.random.normal(ks[4], (E, A), dtype=jnp.float32)
    # learned parameters
    W1 = jax.random.normal(ks[5], (D, D), dtype=jnp.float32) / np.sqrt(D)          # linear_1
    We1 = jax.random.normal(ks[6], (B, 8), dtype=jnp.float32) / np.sqrt(B)         # shared edge MLP hidden
    We2 = jax.random.normal(ks[7], (8, D), dtype=jnp.float32) / np.sqrt(8)         # shared edge MLP -> TP weights
    P = jax.random.normal(ks[8], (H, A, D), dtype=jnp.float32) / np.sqrt(A)        # per-head TP path mixing of edge attrs
    W2 = jax.random.normal(ks[9], (H, D, D), dtype=jnp.float32) / np.sqrt(D)       # per-head linear_2
    Wsc = jax.random.normal(ks[10], (H, D, T, D), dtype=jnp.float32) / np.sqrt(D * T)  # per-head self-connection FCTP
    return {
        "x": x,
        "node_attrs": node_attrs,
        "edge_embedding": edge_embedding,
        "edge_attr": edge_attr,
        "edge_index": edge_index,
        "W1": W1,
        "We1": We1,
        "We2": We2,
        "P": P,
        "W2": W2,
        "Wsc": Wsc,
    }


def reference(x, node_attrs, edge_embedding, edge_attr, edge_index, W1, We1, We2, P, W2, Wsc):
    # linear_1 on node features
    x1 = x @ W1
    # shared edge MLP: radial basis -> per-edge tensor-product weights
    edge_w = jax.nn.silu(edge_embedding @ We1) @ We2  # [E, D]
    src = edge_index[0]
    dst = edge_index[1]
    # gather source node features along edges
    gathered = jnp.take(x1, src, axis=0)  # [E, D]
    # weighted messages (shared part of tensor product)
    msg = gathered * edge_w  # [E, D]
    outs = []
    for h in range(H):
        # per-head tensor-product path: modulate by edge attrs via head-specific path mixing
        edge_gate = edge_attr @ P[h]  # [E, D]
        head_msg = msg * edge_gate    # [E, D]
        # scatter-add to destination nodes, normalize by avg num neighbors
        agg = jax.ops.segment_sum(head_msg, dst, num_segments=N) / AVG_NUM_NEIGHBORS  # [N, D]
        # per-head self-connection (fully-connected TP of node features with node attrs)
        sc = jnp.einsum('nd,nt,dto->no', x, node_attrs, Wsc[h])  # [N, D]
        # per-head linear_2 + self connection + scalar activation
        out_h = jax.nn.silu(agg @ W2[h] + sc)
        outs.append(out_h)
    return jnp.stack(outs, axis=0)  # [H, N, D]

if __name__ == "__main__":
    import jax
    _d = setup_inputs()
    print(jax.jit(kernel)(*tuple(_d.values())))

</pallas_src>

<mosaic_0001>
#map = affine_map<(d0, d1) -> (0, 0)>
#map1 = affine_map<(d0, d1) -> (0)>
module attributes {stable_mosaic.version = 14 : i64} {
  func.func @_sc_body(%arg0: i32, %arg1: i32, %arg2: memref<10000x128xf32, #tpu.memory_space<hbm>>, %arg3: memref<640000x128xf32, #tpu.memory_space<hbm>>, %arg4: memref<320000xi32, #tpu.memory_space<hbm>>, %arg5: memref<320000xi32, #tpu.memory_space<hbm>>, %arg6: memref<20000x128xf32, #tpu.memory_space<hbm>>, %arg7: memref<80xi32, #tpu.memory_space<vmem>>, %arg8: memref<80xi32, #tpu.memory_space<vmem>>, %arg9: memref<80xi32, #tpu.memory_space<vmem>>, %arg10: memref<80xi32, #tpu.memory_space<vmem>>, %arg11: memref<80x128xf32, #tpu.memory_space<vmem>>, %arg12: memref<80x128xf32, #tpu.memory_space<vmem>>, %arg13: memref<80x128xf32, #tpu.memory_space<vmem>>, %arg14: memref<80x128xf32, #tpu.memory_space<vmem>>, %arg15: memref<10240x128xf32, #tpu.memory_space<vmem_shared>>, %arg16: memref<!tpu.dma_semaphore, #tpu.memory_space<semaphore_mem>>, %arg17: memref<!tpu.dma_semaphore, #tpu.memory_space<semaphore_mem>>, %arg18: memref<!tpu.dma_semaphore, #tpu.memory_space<semaphore_mem>>, %arg19: memref<!tpu.dma_semaphore, #tpu.memory_space<semaphore_mem>>, %arg20: memref<!tpu.dma_semaphore, #tpu.memory_space<semaphore_mem>>, %arg21: memref<!tpu.dma_semaphore, #tpu.memory_space<semaphore_mem>>) attributes {dimension_semantics = [#tpu.dimension_semantics<core_parallel>, #tpu.dimension_semantics<subcore_parallel>], iteration_bounds = array<i64: 2, 16>, scalar_prefetch = 0 : i64, scratch_operands = 15 : i64, tpu.core_type = #tpu.core_type<sc_vector_subcore>, window_params = [{transform_indices = #map}, {transform_indices = #map}, {transform_indices = #map1}, {transform_indices = #map1}, {transform_indices = #map}]} {
    %scan3A = arith.constant 0 : i32
    %scan3A_0 = arith.constant 0 : i32
    %scan3A_1 = arith.constant 80 : i32
    %scan3A_2 = arith.addi %scan3A_0, %scan3A_1 : i32
    %scan3A_3 = arith.constant 1 : i32
    scf.for %scan3A_114 = %scan3A_0 to %scan3A_2 step %scan3A_3  : i32 {
      %broadcast_in_dim3A = arith.constant 0.000000e+00 : f32
      %broadcast_in_dim3A_115 = vector.broadcast %broadcast_in_dim3A : f32 to vector<16xf32>
      %swap3A = arith.index_cast %scan3A_114 : i32 to index
      %swap3A_116 = arith.constant 0 : index
      %swap3A_117 = tpu.vector_load %arg13[%swap3A, %swap3A_116] {strides = array<i32>} : memref<80x128xf32, #tpu.memory_space<vmem>>, vector<1x16xf32>,
      %swap3A_118 = vector.shape_cast %swap3A_117 : vector<1x16xf32> to vector<16xf32>
      %swap3A_119 = vector.shape_cast %broadcast_in_dim3A_115 : vector<16xf32> to vector<1x16xf32>
      tpu.vector_store %arg13[%swap3A, %swap3A_116], %swap3A_119 {strides = array<i32>} : memref<80x128xf32, #tpu.memory_space<vmem>>, vector<1x16xf32>,
      %broadcast_in_dim3A_120 = arith.constant 0.000000e+00 : f32
      %broadcast_in_dim3A_121 = vector.broadcast %broadcast_in_dim3A_120 : f32 to vector<16xf32>
      %swap3A_122 = arith.index_cast %scan3A_114 : i32 to index
      %swap3A_123 = arith.constant 16 : index
      %swap3A_124 = tpu.vector_load %arg13[%swap3A_122, %swap3A_123] {strides = array<i32>} : memref<80x128xf32, #tpu.memory_space<vmem>>, vector<1x16xf32>,
      %swap3A_125 = vector.shape_cast %swap3A_124 : vector<1x16xf32> to vector<16xf32>
      %swap3A_126 = vector.shape_cast %broadcast_in_dim3A_121 : vector<16xf32> to vector<1x16xf32>
      tpu.vector_store %arg13[%swap3A_122, %swap3A_123], %swap3A_126 {strides = array<i32>} : memref<80x128xf32, #tpu.memory_space<vmem>>, vector<1x16xf32>,
      %broadcast_in_dim3A_127 = arith.constant 0.000000e+00 : f32
      %broadcast_in_dim3A_128 = vector.broadcast %broadcast_in_dim3A_127 : f32 to vector<16xf32>
      %swap3A_129 = arith.index_cast %scan3A_114 : i32 to index
      %swap3A_130 = arith.constant 32 : index
      %swap3A_131 = tpu.vector_load %arg13[%swap3A_129, %swap3A_130] {strides = array<i32>} : memref<80x128xf32, #tpu.memory_space<vmem>>, vector<1x16xf32>,
      %swap3A_132 = vector.shape_cast %swap3A_131 : vector<1x16xf32> to vector<16xf32>
      %swap3A_133 = vector.shape_cast %broadcast_in_dim3A_128 : vector<16xf32> to vector<1x16xf32>
      tpu.vector_store %arg13[%swap3A_129, %swap3A_130], %swap3A_133 {strides = array<i32>} : memref<80x128xf32, #tpu.memory_space<vmem>>, vector<1x16xf32>,
      %broadcast_in_dim3A_134 = arith.constant 0.000000e+00 : f32
      %broadcast_in_dim3A_135 = vector.broadcast %broadcast_in_dim3A_134 : f32 to vector<16xf32>
      %swap3A_136 = arith.index_cast %scan3A_114 : i32 to index
      %swap3A_137 = arith.constant 48 : index
      %swap3A_138 = tpu.vector_load %arg13[%swap3A_136, %swap3A_137] {strides = array<i32>} : memref<80x128xf32, #tpu.memory_space<vmem>>, vector<1x16xf32>,
      %swap3A_139 = vector.shape_cast %swap3A_138 : vector<1x16xf32> to vector<16xf32>
      %swap3A_140 = vector.shape_cast %broadcast_in_dim3A_135 : vector<16xf32> to vector<1x16xf32>
      tpu.vector_store %arg13[%swap3A_136, %swap3A_137], %swap3A_140 {strides = array<i32>} : memref<80x128xf32, #tpu.memory_space<vmem>>, vector<1x16xf32>,
      %broadcast_in_dim3A_141 = arith.constant 0.000000e+00 : f32
      %broadcast_in_dim3A_142 = vector.broadcast %broadcast_in_dim3A_141 : f32 to vector<16xf32>
      %swap3A_143 = arith.index_cast %scan3A_114 : i32 to index
      %swap3A_144 = arith.constant 64 : index
      %swap3A_145 = tpu.vector_load %arg13[%swap3A_143, %swap3A_144] {strides = array<i32>} : memref<80x128xf32, #tpu.memory_space<vmem>>, vector<1x16xf32>,
      %swap3A_146 = vector.shape_cast %swap3A_145 : vector<1x16xf32> to vector<16xf32>
      %swap3A_147 = vector.shape_cast %broadcast_in_dim3A_142 : vector<16xf32> to vector<1x16xf32>
      tpu.vector_store %arg13[%swap3A_143, %swap3A_144], %swap3A_147 {strides = array<i32>} : memref<80x128xf32, #tpu.memory_space<vmem>>, vector<1x16xf32>,
      %broadcast_in_dim3A_148 = arith.constant 0.000000e+00 : f32
      %broadcast_in_dim3A_149 = vector.broadcast %broadcast_in_dim3A_148 : f32 to vector<16xf32>
      %swap3A_150 = arith.index_cast %scan3A_114 : i32 to index
      %swap3A_151 = arith.constant 80 : index
      %swap3A_152 = tpu.vector_load %arg13[%swap3A_150, %swap3A_151] {strides = array<i32>} : memref<80x128xf32, #tpu.memory_space<vmem>>, vector<1x16xf32>,
      %swap3A_153 = vector.shape_cast %swap3A_152 : vector<1x16xf32> to vector<16xf32>
      %swap3A_154 = vector.shape_cast %broadcast_in_dim3A_149 : vector<16xf32> to vector<1x16xf32>
      tpu.vector_store %arg13[%swap3A_150, %swap3A_151], %swap3A_154 {strides = array<i32>} : memref<80x128xf32, #tpu.memory_space<vmem>>, vector<1x16xf32>,
      %broadcast_in_dim3A_155 = arith.constant 0.000000e+00 : f32
      %broadcast_in_dim3A_156 = vector.broadcast %broadcast_in_dim3A_155 : f32 to vector<16xf32>
      %swap3A_157 = arith.index_cast %scan3A_114 : i32 to index
      %swap3A_158 = arith.constant 96 : index
      %swap3A_159 = tpu.vector_load %arg13[%swap3A_157, %swap3A_158] {strides = array<i32>} : memref<80x128xf32, #tpu.memory_space<vmem>>, vector<1x16xf32>,
      %swap3A_160 = vector.shape_cast %swap3A_159 : vector<1x16xf32> to vector<16xf32>
      %swap3A_161 = vector.shape_cast %broadcast_in_dim3A_156 : vector<16xf32> to vector<1x16xf32>
      tpu.vector_store %arg13[%swap3A_157, %swap3A_158], %swap3A_161 {strides = array<i32>} : memref<80x128xf32, #tpu.memory_space<vmem>>, vector<1x16xf32>,
      %broadcast_in_dim3A_162 = arith.constant 0.000000e+00 : f32
      %broadcast_in_dim3A_163 = vector.broadcast %broadcast_in_dim3A_162 : f32 to vector<16xf32>
      %swap3A_164 = arith.index_cast %scan3A_114 : i32 to index
      %swap3A_165 = arith.constant 112 : index
      %swap3A_166 = tpu.vector_load %arg13[%swap3A_164, %swap3A_165] {strides = array<i32>} : memref<80x128xf32, #tpu.memory_space<vmem>>, vector<1x16xf32>,
      %swap3A_167 = vector.shape_cast %swap3A_166 : vector<1x16xf32> to vector<16xf32>
      %swap3A_168 = vector.shape_cast %broadcast_in_dim3A_163 : vector<16xf32> to vector<1x16xf32>
      tpu.vector_store %arg13[%swap3A_164, %swap3A_165], %swap3A_168 {strides = array<i32>} : memref<80x128xf32, #tpu.memory_space<vmem>>, vector<1x16xf32>,
    }
    %scan3A_4 = arith.constant 80 : i32
    %mul3A = arith.constant 640 : i32
    %mul3A_5 = arith.muli %arg1, %mul3A : i32
    %add3A = arith.constant 0 : i32
    %add3A_6 = arith.addi %mul3A_5, %add3A : i32
    "tpu.region"() ({
      %run_scoped3A = tpu.sem_alloc : memref<!tpu.dma_semaphore, #tpu.memory_space<semaphore_mem>>
      %dma_start3A_114 = arith.constant 0 : i32
      %dma_start3A_115 = tpu.memref_slice %arg15[%add3A_6, %dma_start3A_114] : memref<10240x128xf32, #tpu.memory_space<vmem_shared>> -> memref<80x128xf32, #tpu.memory_space<vmem_shared>>
      %dma_start3A_116 = arith.constant 0 : i32
      %dma_start3A_117 = tpu.memref_slice %arg15[%add3A_6, %dma_start3A_116] : memref<10240x128xf32, #tpu.memory_space<vmem_shared>> -> memref<80x128xf32, #tpu.memory_space<vmem_shared>>
      tpu.enqueue_dma source(%arg13 : memref<80x128xf32, #tpu.memory_space<vmem>>) target(%dma_start3A_117 : memref<80x128xf32, #tpu.memory_space<vmem_shared>>) target_semaphore(%run_scoped3A : memref<!tpu.dma_semaphore, #tpu.memory_space<semaphore_mem>>)
      %dma_wait3A_118 = arith.constant 0 : i32
      %dma_wait3A_119 = tpu.memref_slice %arg15[%add3A_6, %dma_wait3A_118] : memref<10240x128xf32, #tpu.memory_space<vmem_shared>> -> memref<80x128xf32, #tpu.memory_space<vmem_shared>>
      %dma_wait3A_120 = arith.constant 0 : i32
      %dma_wait3A_121 = tpu.memref_slice %arg15[%add3A_6, %dma_wait3A_120] : memref<10240x128xf32, #tpu.memory_space<vmem_shared>> -> memref<80x128xf32, #tpu.memory_space<vmem_shared>>
      tpu.wait_dma2 semaphore(%run_scoped3A : memref<!tpu.dma_semaphore, #tpu.memory_space<semaphore_mem>>) src(%arg13 : memref<80x128xf32, #tpu.memory_space<vmem>>) dst(%dma_wait3A_121 : memref<80x128xf32, #tpu.memory_space<vmem_shared>>)
      tpu.yield
    }) : () -> ()
    %mul3A_7 = arith.constant 640 : i32
    %mul3A_8 = arith.muli %arg1, %mul3A_7 : i32
    %add3A_9 = arith.constant 80 : i32
    %add3A_10 = arith.addi %mul3A_8, %add3A_9 : i32
    "tpu.region"() ({
      %run_scoped3A = tpu.sem_alloc : memref<!tpu.dma_semaphore, #tpu.memory_space<semaphore_mem>>
      %dma_start3A_114 = arith.constant 0 : i32
      %dma_start3A_115 = tpu.memref_slice %arg15[%add3A_10, %dma_start3A_114] : memref<10240x128xf32, #tpu.memory_space<vmem_shared>> -> memref<80x128xf32, #tpu.memory_space<vmem_shared>>
      %dma_start3A_116 = arith.constant 0 : i32
      %dma_start3A_117 = tpu.memref_slice %arg15[%add3A_10, %dma_start3A_116] : memref<10240x128xf32, #tpu.memory_space<vmem_shared>> -> memref<80x128xf32, #tpu.memory_space<vmem_shared>>
      tpu.enqueue_dma source(%arg13 : memref<80x128xf32, #tpu.memory_space<vmem>>) target(%dma_start3A_117 : memref<80x128xf32, #tpu.memory_space<vmem_shared>>) target_semaphore(%run_scoped3A : memref<!tpu.dma_semaphore, #tpu.memory_space<semaphore_mem>>)
      %dma_wait3A_118 = arith.constant 0 : i32
      %dma_wait3A_119 = tpu.memref_slice %arg15[%add3A_10, %dma_wait3A_118] : memref<10240x128xf32, #tpu.memory_space<vmem_shared>> -> memref<80x128xf32, #tpu.memory_space<vmem_shared>>
      %dma_wait3A_120 = arith.constant 0 : i32
      %dma_wait3A_121 = tpu.memref_slice %arg15[%add3A_10, %dma_wait3A_120] : memref<10240x128xf32, #tpu.memory_space<vmem_shared>> -> memref<80x128xf32, #tpu.memory_space<vmem_shared>>
      tpu.wait_dma2 semaphore(%run_scoped3A : memref<!tpu.dma_semaphore, #tpu.memory_space<semaphore_mem>>) src(%arg13 : memref<80x128xf32, #tpu.memory_space<vmem>>) dst(%dma_wait3A_121 : memref<80x128xf32, #tpu.memory_space<vmem_shared>>)
      tpu.yield
    }) : () -> ()
    %mul3A_11 = arith.constant 640 : i32
    %mul3A_12 = arith.muli %arg1, %mul3A_11 : i32
    %add3A_13 = arith.constant 160 : i32
    %add3A_14 = arith.addi %mul3A_12, %add3A_13 : i32
    "tpu.region"() ({
      %run_scoped3A = tpu.sem_alloc : memref<!tpu.dma_semaphore, #tpu.memory_space<semaphore_mem>>
      %dma_start3A_114 = arith.constant 0 : i32
      %dma_start3A_115 = tpu.memref_slice %arg15[%add3A_14, %dma_start3A_114] : memref<10240x128xf32, #tpu.memory_space<vmem_shared>> -> memref<80x128xf32, #tpu.memory_space<vmem_shared>>
      %dma_start3A_116 = arith.constant 0 : i32
      %dma_start3A_117 = tpu.memref_slice %arg15[%add3A_14, %dma_start3A_116] : memref<10240x128xf32, #tpu.memory_space<vmem_shared>> -> memref<80x128xf32, #tpu.memory_space<vmem_shared>>
      tpu.enqueue_dma source(%arg13 : memref<80x128xf32, #tpu.memory_space<vmem>>) target(%dma_start3A_117 : memref<80x128xf32, #tpu.memory_space<vmem_shared>>) target_semaphore(%run_scoped3A : memref<!tpu.dma_semaphore, #tpu.memory_space<semaphore_mem>>)
      %dma_wait3A_118 = arith.constant 0 : i32
      %dma_wait3A_119 = tpu.memref_slice %arg15[%add3A_14, %dma_wait3A_118] : memref<10240x128xf32, #tpu.memory_space<vmem_shared>> -> memref<80x128xf32, #tpu.memory_space<vmem_shared>>
      %dma_wait3A_120 = arith.constant 0 : i32
      %dma_wait3A_121 = tpu.memref_slice %arg15[%add3A_14, %dma_wait3A_120] : memref<10240x128xf32, #tpu.memory_space<vmem_shared>> -> memref<80x128xf32, #tpu.memory_space<vmem_shared>>
      tpu.wait_dma2 semaphore(%run_scoped3A : memref<!tpu.dma_semaphore, #tpu.memory_space<semaphore_mem>>) src(%arg13 : memref<80x128xf32, #tpu.memory_space<vmem>>) dst(%dma_wait3A_121 : memref<80x128xf32, #tpu.memory_space<vmem_shared>>)
      tpu.yield
    }) : () -> ()
    %mul3A_15 = arith.constant 640 : i32
    %mul3A_16 = arith.muli %arg1, %mul3A_15 : i32
    %add3A_17 = arith.constant 240 : i32
    %add3A_18 = arith.addi %mul3A_16, %add3A_17 : i32
    "tpu.region"() ({
      %run_scoped3A = tpu.sem_alloc : memref<!tpu.dma_semaphore, #tpu.memory_space<semaphore_mem>>
      %dma_start3A_114 = arith.constant 0 : i32
      %dma_start3A_115 = tpu.memref_slice %arg15[%add3A_18, %dma_start3A_114] : memref<10240x128xf32, #tpu.memory_space<vmem_shared>> -> memref<80x128xf32, #tpu.memory_space<vmem_shared>>
      %dma_start3A_116 = arith.constant 0 : i32
      %dma_start3A_117 = tpu.memref_slice %arg15[%add3A_18, %dma_start3A_116] : memref<10240x128xf32, #tpu.memory_space<vmem_shared>> -> memref<80x128xf32, #tpu.memory_space<vmem_shared>>
      tpu.enqueue_dma source(%arg13 : memref<80x128xf32, #tpu.memory_space<vmem>>) target(%dma_start3A_117 : memref<80x128xf32, #tpu.memory_space<vmem_shared>>) target_semaphore(%run_scoped3A : memref<!tpu.dma_semaphore, #tpu.memory_space<semaphore_mem>>)
      %dma_wait3A_118 = arith.constant 0 : i32
      %dma_wait3A_119 = tpu.memref_slice %arg15[%add3A_18, %dma_wait3A_118] : memref<10240x128xf32, #tpu.memory_space<vmem_shared>> -> memref<80x128xf32, #tpu.memory_space<vmem_shared>>
      %dma_wait3A_120 = arith.constant 0 : i32
      %dma_wait3A_121 = tpu.memref_slice %arg15[%add3A_18, %dma_wait3A_120] : memref<10240x128xf32, #tpu.memory_space<vmem_shared>> -> memref<80x128xf32, #tpu.memory_space<vmem_shared>>
      tpu.wait_dma2 semaphore(%run_scoped3A : memref<!tpu.dma_semaphore, #tpu.memory_space<semaphore_mem>>) src(%arg13 : memref<80x128xf32, #tpu.memory_space<vmem>>) dst(%dma_wait3A_121 : memref<80x128xf32, #tpu.memory_space<vmem_shared>>)
      tpu.yield
    }) : () -> ()
    %mul3A_19 = arith.constant 640 : i32
    %mul3A_20 = arith.muli %arg1, %mul3A_19 : i32
    %add3A_21 = arith.constant 320 : i32
    %add3A_22 = arith.addi %mul3A_20, %add3A_21 : i32
    "tpu.region"() ({
      %run_scoped3A = tpu.sem_alloc : memref<!tpu.dma_semaphore, #tpu.memory_space<semaphore_mem>>
      %dma_start3A_114 = arith.constant 0 : i32
      %dma_start3A_115 = tpu.memref_slice %arg15[%add3A_22, %dma_start3A_114] : memref<10240x128xf32, #tpu.memory_space<vmem_shared>> -> memref<80x128xf32, #tpu.memory_space<vmem_shared>>
      %dma_start3A_116 = arith.constant 0 : i32
      %dma_start3A_117 = tpu.memref_slice %arg15[%add3A_22, %dma_start3A_116] : memref<10240x128xf32, #tpu.memory_space<vmem_shared>> -> memref<80x128xf32, #tpu.memory_space<vmem_shared>>
      tpu.enqueue_dma source(%arg13 : memref<80x128xf32, #tpu.memory_space<vmem>>) target(%dma_start3A_117 : memref<80x128xf32, #tpu.memory_space<vmem_shared>>) target_semaphore(%run_scoped3A : memref<!tpu.dma_semaphore, #tpu.memory_space<semaphore_mem>>)
      %dma_wait3A_118 = arith.constant 0 : i32
      %dma_wait3A_119 = tpu.memref_slice %arg15[%add3A_22, %dma_wait3A_118] : memref<10240x128xf32, #tpu.memory_space<vmem_shared>> -> memref<80x128xf32, #tpu.memory_space<vmem_shared>>
      %dma_wait3A_120 = arith.constant 0 : i32
      %dma_wait3A_121 = tpu.memref_slice %arg15[%add3A_22, %dma_wait3A_120] : memref<10240x128xf32, #tpu.memory_space<vmem_shared>> -> memref<80x128xf32, #tpu.memory_space<vmem_shared>>
      tpu.wait_dma2 semaphore(%run_scoped3A : memref<!tpu.dma_semaphore, #tpu.memory_space<semaphore_mem>>) src(%arg13 : memref<80x128xf32, #tpu.memory_space<vmem>>) dst(%dma_wait3A_121 : memref<80x128xf32, #tpu.memory_space<vmem_shared>>)
      tpu.yield
    }) : () -> ()
    %mul3A_23 = arith.constant 640 : i32
    %mul3A_24 = arith.muli %arg1, %mul3A_23 : i32
    %add3A_25 = arith.constant 400 : i32
    %add3A_26 = arith.addi %mul3A_24, %add3A_25 : i32
    "tpu.region"() ({
      %run_scoped3A = tpu.sem_alloc : memref<!tpu.dma_semaphore, #tpu.memory_space<semaphore_mem>>
      %dma_start3A_114 = arith.constant 0 : i32
      %dma_start3A_115 = tpu.memref_slice %arg15[%add3A_26, %dma_start3A_114] : memref<10240x128xf32, #tpu.memory_space<vmem_shared>> -> memref<80x128xf32, #tpu.memory_space<vmem_shared>>
      %dma_start3A_116 = arith.constant 0 : i32
      %dma_start3A_117 = tpu.memref_slice %arg15[%add3A_26, %dma_start3A_116] : memref<10240x128xf32, #tpu.memory_space<vmem_shared>> -> memref<80x128xf32, #tpu.memory_space<vmem_shared>>
      tpu.enqueue_dma source(%arg13 : memref<80x128xf32, #tpu.memory_space<vmem>>) target(%dma_start3A_117 : memref<80x128xf32, #tpu.memory_space<vmem_shared>>) target_semaphore(%run_scoped3A : memref<!tpu.dma_semaphore, #tpu.memory_space<semaphore_mem>>)
      %dma_wait3A_118 = arith.constant 0 : i32
      %dma_wait3A_119 = tpu.memref_slice %arg15[%add3A_26, %dma_wait3A_118] : memref<10240x128xf32, #tpu.memory_space<vmem_shared>> -> memref<80x128xf32, #tpu.memory_space<vmem_shared>>
      %dma_wait3A_120 = arith.constant 0 : i32
      %dma_wait3A_121 = tpu.memref_slice %arg15[%add3A_26, %dma_wait3A_120] : memref<10240x128xf32, #tpu.memory_space<vmem_shared>> -> memref<80x128xf32, #tpu.memory_space<vmem_shared>>
      tpu.wait_dma2 semaphore(%run_scoped3A : memref<!tpu.dma_semaphore, #tpu.memory_space<semaphore_mem>>) src(%arg13 : memref<80x128xf32, #tpu.memory_space<vmem>>) dst(%dma_wait3A_121 : memref<80x128xf32, #tpu.memory_space<vmem_shared>>)
      tpu.yield
    }) : () -> ()
    %mul3A_27 = arith.constant 640 : i32
    %mul3A_28 = arith.muli %arg1, %mul3A_27 : i32
    %add3A_29 = arith.constant 480 : i32
    %add3A_30 = arith.addi %mul3A_28, %add3A_29 : i32
    "tpu.region"() ({
      %run_scoped3A = tpu.sem_alloc : memref<!tpu.dma_semaphore, #tpu.memory_space<semaphore_mem>>
      %dma_start3A_114 = arith.constant 0 : i32
      %dma_start3A_115 = tpu.memref_slice %arg15[%add3A_30, %dma_start3A_114] : memref<10240x128xf32, #tpu.memory_space<vmem_shared>> -> memref<80x128xf32, #tpu.memory_space<vmem_shared>>
      %dma_start3A_116 = arith.constant 0 : i32
      %dma_start3A_117 = tpu.memref_slice %arg15[%add3A_30, %dma_start3A_116] : memref<10240x128xf32, #tpu.memory_space<vmem_shared>> -> memref<80x128xf32, #tpu.memory_space<vmem_shared>>
      tpu.enqueue_dma source(%arg13 : memref<80x128xf32, #tpu.memory_space<vmem>>) target(%dma_start3A_117 : memref<80x128xf32, #tpu.memory_space<vmem_shared>>) target_semaphore(%run_scoped3A : memref<!tpu.dma_semaphore, #tpu.memory_space<semaphore_mem>>)
      %dma_wait3A_118 = arith.constant 0 : i32
      %dma_wait3A_119 = tpu.memref_slice %arg15[%add3A_30, %dma_wait3A_118] : memref<10240x128xf32, #tpu.memory_space<vmem_shared>> -> memref<80x128xf32, #tpu.memory_space<vmem_shared>>
      %dma_wait3A_120 = arith.constant 0 : i32
      %dma_wait3A_121 = tpu.memref_slice %arg15[%add3A_30, %dma_wait3A_120] : memref<10240x128xf32, #tpu.memory_space<vmem_shared>> -> memref<80x128xf32, #tpu.memory_space<vmem_shared>>
      tpu.wait_dma2 semaphore(%run_scoped3A : memref<!tpu.dma_semaphore, #tpu.memory_space<semaphore_mem>>) src(%arg13 : memref<80x128xf32, #tpu.memory_space<vmem>>) dst(%dma_wait3A_121 : memref<80x128xf32, #tpu.memory_space<vmem_shared>>)
      tpu.yield
    }) : () -> ()
    %mul3A_31 = arith.constant 640 : i32
    %mul3A_32 = arith.muli %arg1, %mul3A_31 : i32
    %add3A_33 = arith.constant 560 : i32
    %add3A_34 = arith.addi %mul3A_32, %add3A_33 : i32
    "tpu.region"() ({
      %run_scoped3A = tpu.sem_alloc : memref<!tpu.dma_semaphore, #tpu.memory_space<semaphore_mem>>
      %dma_start3A_114 = arith.constant 0 : i32
      %dma_start3A_115 = tpu.memref_slice %arg15[%add3A_34, %dma_start3A_114] : memref<10240x128xf32, #tpu.memory_space<vmem_shared>> -> memref<80x128xf32, #tpu.memory_space<vmem_shared>>
      %dma_start3A_116 = arith.constant 0 : i32
      %dma_start3A_117 = tpu.memref_slice %arg15[%add3A_34, %dma_start3A_116] : memref<10240x128xf32, #tpu.memory_space<vmem_shared>> -> memref<80x128xf32, #tpu.memory_space<vmem_shared>>
      tpu.enqueue_dma source(%arg13 : memref<80x128xf32, #tpu.memory_space<vmem>>) target(%dma_start3A_117 : memref<80x128xf32, #tpu.memory_space<vmem_shared>>) target_semaphore(%run_scoped3A : memref<!tpu.dma_semaphore, #tpu.memory_space<semaphore_mem>>)
      %dma_wait3A_118 = arith.constant 0 : i32
      %dma_wait3A_119 = tpu.memref_slice %arg15[%add3A_34, %dma_wait3A_118] : memref<10240x128xf32, #tpu.memory_space<vmem_shared>> -> memref<80x128xf32, #tpu.memory_space<vmem_shared>>
      %dma_wait3A_120 = arith.constant 0 : i32
      %dma_wait3A_121 = tpu.memref_slice %arg15[%add3A_34, %dma_wait3A_120] : memref<10240x128xf32, #tpu.memory_space<vmem_shared>> -> memref<80x128xf32, #tpu.memory_space<vmem_shared>>
      tpu.wait_dma2 semaphore(%run_scoped3A : memref<!tpu.dma_semaphore, #tpu.memory_space<semaphore_mem>>) src(%arg13 : memref<80x128xf32, #tpu.memory_space<vmem>>) dst(%dma_wait3A_121 : memref<80x128xf32, #tpu.memory_space<vmem_shared>>)
      tpu.yield
    }) : () -> ()
    %barrier3A = arith.constant 0 : index
    tpu.barrier barrier_id(%barrier3A)
    %mul3A_35 = arith.constant 20000 : i32
    %mul3A_36 = arith.muli %arg1, %mul3A_35 : i32
    %add3A_37 = arith.constant 0 : i32
    %add3A_38 = arith.addi %mul3A_36, %add3A_37 : i32
    %dma_start3A = tpu.memref_slice %arg4[%add3A_38] : memref<320000xi32, #tpu.memory_space<hbm>> -> memref<80xi32, #tpu.memory_space<hbm>>
    %dma_start3A_39 = tpu.memref_slice %arg4[%add3A_38] : memref<320000xi32, #tpu.memory_space<hbm>> -> memref<80xi32, #tpu.memory_space<hbm>>
    tpu.enqueue_dma source(%dma_start3A_39 : memref<80xi32, #tpu.memory_space<hbm>>) target(%arg7 : memref<80xi32, #tpu.memory_space<vmem>>) target_semaphore(%arg20 : memref<!tpu.dma_semaphore, #tpu.memory_space<semaphore_mem>>)
    %add3A_40 = arith.constant 0 : i32
    %add3A_41 = arith.addi %mul3A_36, %add3A_40 : i32
    %dma_start3A_42 = tpu.memref_slice %arg5[%add3A_41] : memref<320000xi32, #tpu.memory_space<hbm>> -> memref<80xi32, #tpu.memory_space<hbm>>
    %dma_start3A_43 = tpu.memref_slice %arg5[%add3A_41] : memref<320000xi32, #tpu.memory_space<hbm>> -> memref<80xi32, #tpu.memory_space<hbm>>
    tpu.enqueue_dma source(%dma_start3A_43 : memref<80xi32, #tpu.memory_space<hbm>>) target(%arg9 : memref<80xi32, #tpu.memory_space<vmem>>) target_semaphore(%arg20 : memref<!tpu.dma_semaphore, #tpu.memory_space<semaphore_mem>>)
    %add3A_44 = arith.constant 80 : i32
    %add3A_45 = arith.addi %mul3A_36, %add3A_44 : i32
    %dma_start3A_46 = tpu.memref_slice %arg4[%add3A_45] : memref<320000xi32, #tpu.memory_space<hbm>> -> memref<80xi32, #tpu.memory_space<hbm>>
    %dma_start3A_47 = tpu.memref_slice %arg4[%add3A_45] : memref<320000xi32, #tpu.memory_space<hbm>> -> memref<80xi32, #tpu.memory_space<hbm>>
    tpu.enqueue_dma source(%dma_start3A_47 : memref<80xi32, #tpu.memory_space<hbm>>) target(%arg8 : memref<80xi32, #tpu.memory_space<vmem>>) target_semaphore(%arg21 : memref<!tpu.dma_semaphore, #tpu.memory_space<semaphore_mem>>)
    %add3A_48 = arith.constant 80 : i32
    %add3A_49 = arith.addi %mul3A_36, %add3A_48 : i32
    %dma_start3A_50 = tpu.memref_slice %arg5[%add3A_49] : memref<320000xi32, #tpu.memory_space<hbm>> -> memref<80xi32, #tpu.memory_space<hbm>>
    %dma_start3A_51 = tpu.memref_slice %arg5[%add3A_49] : memref<320000xi32, #tpu.memory_space<hbm>> -> memref<80xi32, #tpu.memory_space<hbm>>
    tpu.enqueue_dma source(%dma_start3A_51 : memref<80xi32, #tpu.memory_space<hbm>>) target(%arg10 : memref<80xi32, #tpu.memory_space<vmem>>) target_semaphore(%arg21 : memref<!tpu.dma_semaphore, #tpu.memory_space<semaphore_mem>>)
    %add3A_52 = arith.constant 0 : i32
    %add3A_53 = arith.addi %mul3A_36, %add3A_52 : i32
    %dma_wait3A = tpu.memref_slice %arg4[%add3A_53] : memref<320000xi32, #tpu.memory_space<hbm>> -> memref<80xi32, #tpu.memory_space<hbm>>
    %dma_wait3A_54 = tpu.memref_slice %arg4[%add3A_53] : memref<320000xi32, #tpu.memory_space<hbm>> -> memref<80xi32, #tpu.memory_space<hbm>>
    tpu.wait_dma2 semaphore(%arg20 : memref<!tpu.dma_semaphore, #tpu.memory_space<semaphore_mem>>) src(%dma_wait3A_54 : memref<80xi32, #tpu.memory_space<hbm>>) dst(%arg7 : memref<80xi32, #tpu.memory_space<vmem>>)
    %add3A_55 = arith.constant 0 : i32
    %add3A_56 = arith.addi %mul3A_36, %add3A_55 : i32
    %dma_wait3A_57 = tpu.memref_slice %arg5[%add3A_56] : memref<320000xi32, #tpu.memory_space<hbm>> -> memref<80xi32, #tpu.memory_space<hbm>>
    %dma_wait3A_58 = tpu.memref_slice %arg5[%add3A_56] : memref<320000xi32, #tpu.memory_space<hbm>> -> memref<80xi32, #tpu.memory_space<hbm>>
    tpu.wait_dma2 semaphore(%arg20 : memref<!tpu.dma_semaphore, #tpu.memory_space<semaphore_mem>>) src(%dma_wait3A_58 : memref<80xi32, #tpu.memory_space<hbm>>) dst(%arg9 : memref<80xi32, #tpu.memory_space<vmem>>)
    %dma_start3A_59 = arith.constant 0 : i32
    %dma_start3A_60 = arith.constant 0 : i32
    %dma_start3A_61 = tpu.memref_slice %arg2[%dma_start3A_59, %dma_start3A_60] : memref<10000x128xf32, #tpu.memory_space<hbm>> -> memref<10000x128xf32, #tpu.memory_space<hbm>>
    tpu.enqueue_indirect_dma source(%dma_start3A_61 : memref<10000x128xf32, #tpu.memory_space<hbm>>) target(%arg11 : memref<80x128xf32, #tpu.memory_space<vmem>>) offsets(%arg7 : memref<80xi32, #tpu.memory_space<vmem>>) semaphore(%arg16 : memref<!tpu.dma_semaphore, #tpu.memory_space<semaphore_mem>>)
    %mul3A_62 = arith.constant 320000 : i32
    %mul3A_63 = arith.muli %arg0, %mul3A_62 : i32
    %add3A_64 = arith.addi %mul3A_63, %mul3A_36 : i32
    %add3A_65 = arith.constant 0 : i32
    %add3A_66 = arith.addi %add3A_64, %add3A_65 : i32
    %dma_start3A_67 = arith.constant 0 : i32
    %dma_start3A_68 = tpu.memref_slice %arg3[%add3A_66, %dma_start3A_67] : memref<640000x128xf32, #tpu.memory_space<hbm>> -> memref<80x128xf32, #tpu.memory_space<hbm>>
    %dma_start3A_69 = arith.constant 0 : i32
    %dma_start3A_70 = tpu.memref_slice %arg3[%add3A_66, %dma_start3A_69] : memref<640000x128xf32, #tpu.memory_space<hbm>> -> memref<80x128xf32, #tpu.memory_space<hbm>>
    tpu.enqueue_dma source(%dma_start3A_70 : memref<80x128xf32, #tpu.memory_space<hbm>>) target(%arg13 : memref<80x128xf32, #tpu.memory_space<vmem>>) target_semaphore(%arg18 : memref<!tpu.dma_semaphore, #tpu.memory_space<semaphore_mem>>)
    %scan3A_71 = arith.constant 0 : i32
    %scan3A_72 = arith.constant 0 : i32
    %scan3A_73 = arith.constant 125 : i32
    %scan3A_74 = arith.addi %scan3A_72, %scan3A_73 : i32
    %scan3A_75 = arith.constant 1 : i32
    scf.for %scan3A_114 = %scan3A_72 to %scan3A_74 step %scan3A_75  : i32 {
      %mul3A_115 = arith.constant 2 : i32
      %mul3A_116 = arith.muli %mul3A_115, %scan3A_114 : i32
      %add3A_117 = arith.constant 0 : i32
      %add3A_118 = arith.addi %mul3A_116, %add3A_117 : i32
      %add3A_119 = arith.constant 1 : i32
      %add3A_120 = arith.addi %add3A_118, %add3A_119 : i32
      %lt3A_121 = arith.constant 250 : i32
      %lt3A_122 = arith.cmpi slt, %add3A_120, %lt3A_121 : i32
      %convert_element_type3A_123 = arith.extui %lt3A_122 : i1 to i32
      %cond3A_124 = arith.constant 0 : i32
      %cond3A_125 = arith.cmpi ne, %convert_element_type3A_123, %cond3A_124 : i32
      scf.if %cond3A_125 {
        %add3A_189 = arith.constant 1 : i32
        %add3A_190 = arith.addi %add3A_118, %add3A_189 : i32
        %mul3A_191 = arith.constant 80 : i32
        %mul3A_192 = arith.muli %add3A_190, %mul3A_191 : i32
        %add3A_193 = arith.addi %mul3A_36, %mul3A_192 : i32
        %dma_wait3A_194 = tpu.memref_slice %arg4[%add3A_193] : memref<320000xi32, #tpu.memory_space<hbm>> -> memref<80xi32, #tpu.memory_space<hbm>>
        %dma_wait3A_195 = tpu.memref_slice %arg4[%add3A_193] : memref<320000xi32, #tpu.memory_space<hbm>> -> memref<80xi32, #tpu.memory_space<hbm>>
        tpu.wait_dma2 semaphore(%arg21 : memref<!tpu.dma_semaphore, #tpu.memory_space<semaphore_mem>>) src(%dma_wait3A_195 : memref<80xi32, #tpu.memory_space<hbm>>) dst(%arg8 : memref<80xi32, #tpu.memory_space<vmem>>)
        %mul3A_196 = arith.constant 80 : i32
        %mul3A_197 = arith.muli %add3A_190, %mul3A_196 : i32
        %add3A_198 = arith.addi %mul3A_36, %mul3A_197 : i32
        %dma_wait3A_199 = tpu.memref_slice %arg5[%add3A_198] : memref<320000xi32, #tpu.memory_space<hbm>> -> memref<80xi32, #tpu.memory_space<hbm>>
        %dma_wait3A_200 = tpu.memref_slice %arg5[%add3A_198] : memref<320000xi32, #tpu.memory_space<hbm>> -> memref<80xi32, #tpu.memory_space<hbm>>
        tpu.wait_dma2 semaphore(%arg21 : memref<!tpu.dma_semaphore, #tpu.memory_space<semaphore_mem>>) src(%dma_wait3A_200 : memref<80xi32, #tpu.memory_space<hbm>>) dst(%arg10 : memref<80xi32, #tpu.memory_space<vmem>>)
        %add3A_201 = arith.constant 1 : i32
        %add3A_202 = arith.addi %add3A_118, %add3A_201 : i32
        %dma_start3A_203 = arith.constant 0 : i32
        %dma_start3A_204 = arith.constant 0 : i32
        %dma_start3A_205 = tpu.memref_slice %arg2[%dma_start3A_203, %dma_start3A_204] : memref<10000x128xf32, #tpu.memory_space<hbm>> -> memref<10000x128xf32, #tpu.memory_space<hbm>>
        tpu.enqueue_indirect_dma source(%dma_start3A_205 : memref<10000x128xf32, #tpu.memory_space<hbm>>) target(%arg12 : memref<80x128xf32, #tpu.memory_space<vmem>>) offsets(%arg8 : memref<80xi32, #tpu.memory_space<vmem>>) semaphore(%arg17 : memref<!tpu.dma_semaphore, #tpu.memory_space<semaphore_mem>>)
        %mul3A_206 = arith.constant 320000 : i32
        %mul3A_207 = arith.muli %arg0, %mul3A_206 : i32
        %add3A_208 = arith.addi %mul3A_207, %mul3A_36 : i32
        %mul3A_209 = arith.constant 80 : i32
        %mul3A_210 = arith.muli %add3A_202, %mul3A_209 : i32
        %add3A_211 = arith.addi %add3A_208, %mul3A_210 : i32
        %dma_start3A_212 = arith.constant 0 : i32
        %dma_start3A_213 = tpu.memref_slice %arg3[%add3A_211, %dma_start3A_212] : memref<640000x128xf32, #tpu.memory_space<hbm>> -> memref<80x128xf32, #tpu.memory_space<hbm>>
        %dma_start3A_214 = arith.constant 0 : i32
        %dma_start3A_215 = tpu.memref_slice %arg3[%add3A_211, %dma_start3A_214] : memref<640000x128xf32, #tpu.memory_space<hbm>> -> memref<80x128xf32, #tpu.memory_space<hbm>>
        tpu.enqueue_dma source(%dma_start3A_215 : memref<80x128xf32, #tpu.memory_space<hbm>>) target(%arg14 : memref<80x128xf32, #tpu.memory_space<vmem>>) target_semaphore(%arg19 : memref<!tpu.dma_semaphore, #tpu.memory_space<semaphore_mem>>)
      } else {
      }
      %dma_wait3A_126 = arith.constant 0 : i32
      %dma_wait3A_127 = arith.constant 0 : i32
      %dma_wait3A_128 = tpu.memref_slice %arg2[%dma_wait3A_126, %dma_wait3A_127] : memref<10000x128xf32, #tpu.memory_space<hbm>> -> memref<10000x128xf32, #tpu.memory_space<hbm>>
      tpu.wait_indirect_dma semaphore(%arg16 : memref<!tpu.dma_semaphore, #tpu.memory_space<semaphore_mem>>) src(%dma_wait3A_128 : memref<10000x128xf32, #tpu.memory_space<hbm>>) dst(%arg11 : memref<80x128xf32, #tpu.memory_space<vmem>>)
      %mul3A_129 = arith.constant 320000 : i32
      %mul3A_130 = arith.muli %arg0, %mul3A_129 : i32
      %add3A_131 = arith.addi %mul3A_130, %mul3A_36 : i32
      %mul3A_132 = arith.constant 80 : i32
      %mul3A_133 = arith.muli %add3A_118, %mul3A_132 : i32
      %add3A_134 = arith.addi %add3A_131, %mul3A_133 : i32
      %dma_wait3A_135 = arith.constant 0 : i32
      %dma_wait3A_136 = tpu.memref_slice %arg3[%add3A_134, %dma_wait3A_135] : memref<640000x128xf32, #tpu.memory_space<hbm>> -> memref<80x128xf32, #tpu.memory_space<hbm>>
      %dma_wait3A_137 = arith.constant 0 : i32
      %dma_wait3A_138 = tpu.memref_slice %arg3[%add3A_134, %dma_wait3A_137] : memref<640000x128xf32, #tpu.memory_space<hbm>> -> memref<80x128xf32, #tpu.memory_space<hbm>>
      tpu.wait_dma2 semaphore(%arg18 : memref<!tpu.dma_semaphore, #tpu.memory_space<semaphore_mem>>) src(%dma_wait3A_138 : memref<80x128xf32, #tpu.memory_space<hbm>>) dst(%arg13 : memref<80x128xf32, #tpu.memory_space<vmem>>)
      %scan3A_139 = arith.constant 0 : i32
      %scan3A_140 = arith.constant 0 : i32
      %scan3A_141 = arith.constant 80 : i32
      %scan3A_142 = arith.addi %scan3A_140, %scan3A_141 : i32
      %scan3A_143 = arith.constant 2 : i32
      scf.for %scan3A_189 = %scan3A_140 to %scan3A_142 step %scan3A_143  : i32 {
        %get3A = arith.index_cast %scan3A_189 : i32 to index
        %get3A_190 = arith.constant 0 : index
        %get3A_191 = tpu.vector_load %arg11[%get3A, %get3A_190] {strides = array<i32>} : memref<80x128xf32, #tpu.memory_space<vmem>>, vector<1x16xf32>,
        %get3A_192 = vector.shape_cast %get3A_191 : vector<1x16xf32> to vector<16xf32>
        %get3A_193 = arith.index_cast %scan3A_189 : i32 to index
        %get3A_194 = arith.constant 0 : index
        %get3A_195 = tpu.vector_load %arg13[%get3A_193, %get3A_194] {strides = array<i32>} : memref<80x128xf32, #tpu.memory_space<vmem>>, vector<1x16xf32>,
        %get3A_196 = vector.shape_cast %get3A_195 : vector<1x16xf32> to vector<16xf32>
        %mul3A_197 = arith.mulf %get3A_192, %get3A_196 : vector<16xf32>
        %swap3A = arith.index_cast %scan3A_189 : i32 to index
        %swap3A_198 = arith.constant 0 : index
        %swap3A_199 = tpu.vector_load %arg11[%swap3A, %swap3A_198] {strides = array<i32>} : memref<80x128xf32, #tpu.memory_space<vmem>>, vector<1x16xf32>,
        %swap3A_200 = vector.shape_cast %swap3A_199 : vector<1x16xf32> to vector<16xf32>
        %swap3A_201 = vector.shape_cast %mul3A_197 : vector<16xf32> to vector<1x16xf32>
        tpu.vector_store %arg11[%swap3A, %swap3A_198], %swap3A_201 {strides = array<i32>} : memref<80x128xf32, #tpu.memory_space<vmem>>, vector<1x16xf32>,
        %get3A_202 = arith.index_cast %scan3A_189 : i32 to index
        %get3A_203 = arith.constant 16 : index
        %get3A_204 = tpu.vector_load %arg11[%get3A_202, %get3A_203] {strides = array<i32>} : memref<80x128xf32, #tpu.memory_space<vmem>>, vector<1x16xf32>,
        %get3A_205 = vector.shape_cast %get3A_204 : vector<1x16xf32> to vector<16xf32>
        %get3A_206 = arith.index_cast %scan3A_189 : i32 to index
        %get3A_207 = arith.constant 16 : index
        %get3A_208 = tpu.vector_load %arg13[%get3A_206, %get3A_207] {strides = array<i32>} : memref<80x128xf32, #tpu.memory_space<vmem>>, vector<1x16xf32>,
        %get3A_209 = vector.shape_cast %get3A_208 : vector<1x16xf32> to vector<16xf32>
        %mul3A_210 = arith.mulf %get3A_205, %get3A_209 : vector<16xf32>
        %swap3A_211 = arith.index_cast %scan3A_189 : i32 to index
        %swap3A_212 = arith.constant 16 : index
        %swap3A_213 = tpu.vector_load %arg11[%swap3A_211, %swap3A_212] {strides = array<i32>} : memref<80x128xf32, #tpu.memory_space<vmem>>, vector<1x16xf32>,
        %swap3A_214 = vector.shape_cast %swap3A_213 : vector<1x16xf32> to vector<16xf32>
        %swap3A_215 = vector.shape_cast %mul3A_210 : vector<16xf32> to vector<1x16xf32>
        tpu.vector_store %arg11[%swap3A_211, %swap3A_212], %swap3A_215 {strides = array<i32>} : memref<80x128xf32, #tpu.memory_space<vmem>>, vector<1x16xf32>,
        %get3A_216 = arith.index_cast %scan3A_189 : i32 to index
        %get3A_217 = arith.constant 32 : index
        %get3A_218 = tpu.vector_load %arg11[%get3A_216, %get3A_217] {strides = array<i32>} : memref<80x128xf32, #tpu.memory_space<vmem>>, vector<1x16xf32>,
        %get3A_219 = vector.shape_cast %get3A_218 : vector<1x16xf32> to vector<16xf32>
        %get3A_220 = arith.index_cast %scan3A_189 : i32 to index
        %get3A_221 = arith.constant 32 : index
        %get3A_222 = tpu.vector_load %arg13[%get3A_220, %get3A_221] {strides = array<i32>} : memref<80x128xf32, #tpu.memory_space<vmem>>, vector<1x16xf32>,
        %get3A_223 = vector.shape_cast %get3A_222 : vector<1x16xf32> to vector<16xf32>
        %mul3A_224 = arith.mulf %get3A_219, %get3A_223 : vector<16xf32>
        %swap3A_225 = arith.index_cast %scan3A_189 : i32 to index
        %swap3A_226 = arith.constant 32 : index
        %swap3A_227 = tpu.vector_load %arg11[%swap3A_225, %swap3A_226] {strides = array<i32>} : memref<80x128xf32, #tpu.memory_space<vmem>>, vector<1x16xf32>,
        %swap3A_228 = vector.shape_cast %swap3A_227 : vector<1x16xf32> to vector<16xf32>
        %swap3A_229 = vector.shape_cast %mul3A_224 : vector<16xf32> to vector<1x16xf32>
        tpu.vector_store %arg11[%swap3A_225, %swap3A_226], %swap3A_229 {strides = array<i32>} : memref<80x128xf32, #tpu.memory_space<vmem>>, vector<1x16xf32>,
        %get3A_230 = arith.index_cast %scan3A_189 : i32 to index
        %get3A_231 = arith.constant 48 : index
        %get3A_232 = tpu.vector_load %arg11[%get3A_230, %get3A_231] {strides = array<i32>} : memref<80x128xf32, #tpu.memory_space<vmem>>, vector<1x16xf32>,
        %get3A_233 = vector.shape_cast %get3A_232 : vector<1x16xf32> to vector<16xf32>
        %get3A_234 = arith.index_cast %scan3A_189 : i32 to index
        %get3A_235 = arith.constant 48 : index
        %get3A_236 = tpu.vector_load %arg13[%get3A_234, %get3A_235] {strides = array<i32>} : memref<80x128xf32, #tpu.memory_space<vmem>>, vector<1x16xf32>,
        %get3A_237 = vector.shape_cast %get3A_236 : vector<1x16xf32> to vector<16xf32>
        %mul3A_238 = arith.mulf %get3A_233, %get3A_237 : vector<16xf32>
        %swap3A_239 = arith.index_cast %scan3A_189 : i32 to index
        %swap3A_240 = arith.constant 48 : index
        %swap3A_241 = tpu.vector_load %arg11[%swap3A_239, %swap3A_240] {strides = array<i32>} : memref<80x128xf32, #tpu.memory_space<vmem>>, vector<1x16xf32>,
        %swap3A_242 = vector.shape_cast %swap3A_241 : vector<1x16xf32> to vector<16xf32>
        %swap3A_243 = vector.shape_cast %mul3A_238 : vector<16xf32> to vector<1x16xf32>
        tpu.vector_store %arg11[%swap3A_239, %swap3A_240], %swap3A_243 {strides = array<i32>} : memref<80x128xf32, #tpu.memory_space<vmem>>, vector<1x16xf32>,
        %get3A_244 = arith.index_cast %scan3A_189 : i32 to index
        %get3A_245 = arith.constant 64 : index
        %get3A_246 = tpu.vector_load %arg11[%get3A_244, %get3A_245] {strides = array<i32>} : memref<80x128xf32, #tpu.memory_space<vmem>>, vector<1x16xf32>,
        %get3A_247 = vector.shape_cast %get3A_246 : vector<1x16xf32> to vector<16xf32>
        %get3A_248 = arith.index_cast %scan3A_189 : i32 to index
        %get3A_249 = arith.constant 64 : index
        %get3A_250 = tpu.vector_load %arg13[%get3A_248, %get3A_249] {strides = array<i32>} : memref<80x128xf32, #tpu.memory_space<vmem>>, vector<1x16xf32>,
        %get3A_251 = vector.shape_cast %get3A_250 : vector<1x16xf32> to vector<16xf32>
        %mul3A_252 = arith.mulf %get3A_247, %get3A_251 : vector<16xf32>
        %swap3A_253 = arith.index_cast %scan3A_189 : i32 to index
        %swap3A_254 = arith.constant 64 : index
        %swap3A_255 = tpu.vector_load %arg11[%swap3A_253, %swap3A_254] {strides = array<i32>} : memref<80x128xf32, #tpu.memory_space<vmem>>, vector<1x16xf32>,
        %swap3A_256 = vector.shape_cast %swap3A_255 : vector<1x16xf32> to vector<16xf32>
        %swap3A_257 = vector.shape_cast %mul3A_252 : vector<16xf32> to vector<1x16xf32>
        tpu.vector_store %arg11[%swap3A_253, %swap3A_254], %swap3A_257 {strides = array<i32>} : memref<80x128xf32, #tpu.memory_space<vmem>>, vector<1x16xf32>,
        %get3A_258 = arith.index_cast %scan3A_189 : i32 to index
        %get3A_259 = arith.constant 80 : index
        %get3A_260 = tpu.vector_load %arg11[%get3A_258, %get3A_259] {strides = array<i32>} : memref<80x128xf32, #tpu.memory_space<vmem>>, vector<1x16xf32>,
        %get3A_261 = vector.shape_cast %get3A_260 : vector<1x16xf32> to vector<16xf32>
        %get3A_262 = arith.index_cast %scan3A_189 : i32 to index
        %get3A_263 = arith.constant 80 : index
        %get3A_264 = tpu.vector_load %arg13[%get3A_262, %get3A_263] {strides = array<i32>} : memref<80x128xf32, #tpu.memory_space<vmem>>, vector<1x16xf32>,
        %get3A_265 = vector.shape_cast %get3A_264 : vector<1x16xf32> to vector<16xf32>
        %mul3A_266 = arith.mulf %get3A_261, %get3A_265 : vector<16xf32>
        %swap3A_267 = arith.index_cast %scan3A_189 : i32 to index
        %swap3A_268 = arith.constant 80 : index
        %swap3A_269 = tpu.vector_load %arg11[%swap3A_267, %swap3A_268] {strides = array<i32>} : memref<80x128xf32, #tpu.memory_space<vmem>>, vector<1x16xf32>,
        %swap3A_270 = vector.shape_cast %swap3A_269 : vector<1x16xf32> to vector<16xf32>
        %swap3A_271 = vector.shape_cast %mul3A_266 : vector<16xf32> to vector<1x16xf32>
        tpu.vector_store %arg11[%swap3A_267, %swap3A_268], %swap3A_271 {strides = array<i32>} : memref<80x128xf32, #tpu.memory_space<vmem>>, vector<1x16xf32>,
        %get3A_272 = arith.index_cast %scan3A_189 : i32 to index
        %get3A_273 = arith.constant 96 : index
        %get3A_274 = tpu.vector_load %arg11[%get3A_272, %get3A_273] {strides = array<i32>} : memref<80x128xf32, #tpu.memory_space<vmem>>, vector<1x16xf32>,
        %get3A_275 = vector.shape_cast %get3A_274 : vector<1x16xf32> to vector<16xf32>
        %get3A_276 = arith.index_cast %scan3A_189 : i32 to index
        %get3A_277 = arith.constant 96 : index
        %get3A_278 = tpu.vector_load %arg13[%get3A_276, %get3A_277] {strides = array<i32>} : memref<80x128xf32, #tpu.memory_space<vmem>>, vector<1x16xf32>,
        %get3A_279 = vector.shape_cast %get3A_278 : vector<1x16xf32> to vector<16xf32>
        %mul3A_280 = arith.mulf %get3A_275, %get3A_279 : vector<16xf32>
        %swap3A_281 = arith.index_cast %scan3A_189 : i32 to index
        %swap3A_282 = arith.constant 96 : index
        %swap3A_283 = tpu.vector_load %arg11[%swap3A_281, %swap3A_282] {strides = array<i32>} : memref<80x128xf32, #tpu.memory_space<vmem>>, vector<1x16xf32>,
        %swap3A_284 = vector.shape_cast %swap3A_283 : vector<1x16xf32> to vector<16xf32>
        %swap3A_285 = vector.shape_cast %mul3A_280 : vector<16xf32> to vector<1x16xf32>
        tpu.vector_store %arg11[%swap3A_281, %swap3A_282], %swap3A_285 {strides = array<i32>} : memref<80x128xf32, #tpu.memory_space<vmem>>, vector<1x16xf32>,
        %get3A_286 = arith.index_cast %scan3A_189 : i32 to index
        %get3A_287 = arith.constant 112 : index
        %get3A_288 = tpu.vector_load %arg11[%get3A_286, %get3A_287] {strides = array<i32>} : memref<80x128xf32, #tpu.memory_space<vmem>>, vector<1x16xf32>,
        %get3A_289 = vector.shape_cast %get3A_288 : vector<1x16xf32> to vector<16xf32>
        %get3A_290 = arith.index_cast %scan3A_189 : i32 to index
        %get3A_291 = arith.constant 112 : index
        %get3A_292 = tpu.vector_load %arg13[%get3A_290, %get3A_291] {strides = array<i32>} : memref<80x128xf32, #tpu.memory_space<vmem>>, vector<1x16xf32>,
        %get3A_293 = vector.shape_cast %get3A_292 : vector<1x16xf32> to vector<16xf32>
        %mul3A_294 = arith.mulf %get3A_289, %get3A_293 : vector<16xf32>
        %swap3A_295 = arith.index_cast %scan3A_189 : i32 to index
        %swap3A_296 = arith.constant 112 : index
        %swap3A_297 = tpu.vector_load %arg11[%swap3A_295, %swap3A_296] {strides = array<i32>} : memref<80x128xf32, #tpu.memory_space<vmem>>, vector<1x16xf32>,
        %swap3A_298 = vector.shape_cast %swap3A_297 : vector<1x16xf32> to vector<16xf32>
        %swap3A_299 = vector.shape_cast %mul3A_294 : vector<16xf32> to vector<1x16xf32>
        tpu.vector_store %arg11[%swap3A_295, %swap3A_296], %swap3A_299 {strides = array<i32>} : memref<80x128xf32, #tpu.memory_space<vmem>>, vector<1x16xf32>,
        %scan3A_300 = arith.constant 1 : i32
        %scan3A_301 = arith.addi %scan3A_189, %scan3A_300 : i32
        %get3A_302 = arith.index_cast %scan3A_301 : i32 to index
        %get3A_303 = arith.constant 0 : index
        %get3A_304 = tpu.vector_load %arg11[%get3A_302, %get3A_303] {strides = array<i32>} : memref<80x128xf32, #tpu.memory_space<vmem>>, vector<1x16xf32>,
        %get3A_305 = vector.shape_cast %get3A_304 : vector<1x16xf32> to vector<16xf32>
        %get3A_306 = arith.index_cast %scan3A_301 : i32 to index
        %get3A_307 = arith.constant 0 : index
        %get3A_308 = tpu.vector_load %arg13[%get3A_306, %get3A_307] {strides = array<i32>} : memref<80x128xf32, #tpu.memory_space<vmem>>, vector<1x16xf32>,
        %get3A_309 = vector.shape_cast %get3A_308 : vector<1x16xf32> to vector<16xf32>
        %mul3A_310 = arith.mulf %get3A_305, %get3A_309 : vector<16xf32>
        %swap3A_311 = arith.index_cast %scan3A_301 : i32 to index
        %swap3A_312 = arith.constant 0 : index
        %swap3A_313 = tpu.vector_load %arg11[%swap3A_311, %swap3A_312] {strides = array<i32>} : memref<80x128xf32, #tpu.memory_space<vmem>>, vector<1x16xf32>,
        %swap3A_314 = vector.shape_cast %swap3A_313 : vector<1x16xf32> to vector<16xf32>
        %swap3A_315 = vector.shape_cast %mul3A_310 : vector<16xf32> to vector<1x16xf32>
        tpu.vector_store %arg11[%swap3A_311, %swap3A_312], %swap3A_315 {strides = array<i32>} : memref<80x128xf32, #tpu.memory_space<vmem>>, vector<1x16xf32>,
        %get3A_316 = arith.index_cast %scan3A_301 : i32 to index
        %get3A_317 = arith.constant 16 : index
        %get3A_318 = tpu.vector_load %arg11[%get3A_316, %get3A_317] {strides = array<i32>} : memref<80x128xf32, #tpu.memory_space<vmem>>, vector<1x16xf32>,
        %get3A_319 = vector.shape_cast %get3A_318 : vector<1x16xf32> to vector<16xf32>
        %get3A_320 = arith.index_cast %scan3A_301 : i32 to index
        %get3A_321 = arith.constant 16 : index
        %get3A_322 = tpu.vector_load %arg13[%get3A_320, %get3A_321] {strides = array<i32>} : memref<80x128xf32, #tpu.memory_space<vmem>>, vector<1x16xf32>,
        %get3A_323 = vector.shape_cast %get3A_322 : vector<1x16xf32> to vector<16xf32>
        %mul3A_324 = arith.mulf %get3A_319, %get3A_323 : vector<16xf32>
        %swap3A_325 = arith.index_cast %scan3A_301 : i32 to index
        %swap3A_326 = arith.constant 16 : index
        %swap3A_327 = tpu.vector_load %arg11[%swap3A_325, %swap3A_326] {strides = array<i32>} : memref<80x128xf32, #tpu.memory_space<vmem>>, vector<1x16xf32>,
        %swap3A_328 = vector.shape_cast %swap3A_327 : vector<1x16xf32> to vector<16xf32>
        %swap3A_329 = vector.shape_cast %mul3A_324 : vector<16xf32> to vector<1x16xf32>
        tpu.vector_store %arg11[%swap3A_325, %swap3A_326], %swap3A_329 {strides = array<i32>} : memref<80x128xf32, #tpu.memory_space<vmem>>, vector<1x16xf32>,
        %get3A_330 = arith.index_cast %scan3A_301 : i32 to index
        %get3A_331 = arith.constant 32 : index
        %get3A_332 = tpu.vector_load %arg11[%get3A_330, %get3A_331] {strides = array<i32>} : memref<80x128xf32, #tpu.memory_space<vmem>>, vector<1x16xf32>,
        %get3A_333 = vector.shape_cast %get3A_332 : vector<1x16xf32> to vector<16xf32>
        %get3A_334 = arith.index_cast %scan3A_301 : i32 to index
        %get3A_335 = arith.constant 32 : index
        %get3A_336 = tpu.vector_load %arg13[%get3A_334, %get3A_335] {strides = array<i32>} : memref<80x128xf32, #tpu.memory_space<vmem>>, vector<1x16xf32>,
        %get3A_337 = vector.shape_cast %get3A_336 : vector<1x16xf32> to vector<16xf32>
        %mul3A_338 = arith.mulf %get3A_333, %get3A_337 : vector<16xf32>
        %swap3A_339 = arith.index_cast %scan3A_301 : i32 to index
        %swap3A_340 = arith.constant 32 : index
        %swap3A_341 = tpu.vector_load %arg11[%swap3A_339, %swap3A_340] {strides = array<i32>} : memref<80x128xf32, #tpu.memory_space<vmem>>, vector<1x16xf32>,
        %swap3A_342 = vector.shape_cast %swap3A_341 : vector<1x16xf32> to vector<16xf32>
        %swap3A_343 = vector.shape_cast %mul3A_338 : vector<16xf32> to vector<1x16xf32>
        tpu.vector_store %arg11[%swap3A_339, %swap3A_340], %swap3A_343 {strides = array<i32>} : memref<80x128xf32, #tpu.memory_space<vmem>>, vector<1x16xf32>,
        %get3A_344 = arith.index_cast %scan3A_301 : i32 to index
        %get3A_345 = arith.constant 48 : index
        %get3A_346 = tpu.vector_load %arg11[%get3A_344, %get3A_345] {strides = array<i32>} : memref<80x128xf32, #tpu.memory_space<vmem>>, vector<1x16xf32>,
        %get3A_347 = vector.shape_cast %get3A_346 : vector<1x16xf32> to vector<16xf32>
        %get3A_348 = arith.index_cast %scan3A_301 : i32 to index
        %get3A_349 = arith.constant 48 : index
        %get3A_350 = tpu.vector_load %arg13[%get3A_348, %get3A_349] {strides = array<i32>} : memref<80x128xf32, #tpu.memory_space<vmem>>, vector<1x16xf32>,
        %get3A_351 = vector.shape_cast %get3A_350 : vector<1x16xf32> to vector<16xf32>
        %mul3A_352 = arith.mulf %get3A_347, %get3A_351 : vector<16xf32>
        %swap3A_353 = arith.index_cast %scan3A_301 : i32 to index
        %swap3A_354 = arith.constant 48 : index
        %swap3A_355 = tpu.vector_load %arg11[%swap3A_353, %swap3A_354] {strides = array<i32>} : memref<80x128xf32, #tpu.memory_space<vmem>>, vector<1x16xf32>,
        %swap3A_356 = vector.shape_cast %swap3A_355 : vector<1x16xf32> to vector<16xf32>
        %swap3A_357 = vector.shape_cast %mul3A_352 : vector<16xf32> to vector<1x16xf32>
        tpu.vector_store %arg11[%swap3A_353, %swap3A_354], %swap3A_357 {strides = array<i32>} : memref<80x128xf32, #tpu.memory_space<vmem>>, vector<1x16xf32>,
        %get3A_358 = arith.index_cast %scan3A_301 : i32 to index
        %get3A_359 = arith.constant 64 : index
        %get3A_360 = tpu.vector_load %arg11[%get3A_358, %get3A_359] {strides = array<i32>} : memref<80x128xf32, #tpu.memory_space<vmem>>, vector<1x16xf32>,
        %get3A_361 = vector.shape_cast %get3A_360 : vector<1x16xf32> to vector<16xf32>
        %get3A_362 = arith.index_cast %scan3A_301 : i32 to index
        %get3A_363 = arith.constant 64 : index
        %get3A_364 = tpu.vector_load %arg13[%get3A_362, %get3A_363] {strides = array<i32>} : memref<80x128xf32, #tpu.memory_space<vmem>>, vector<1x16xf32>,
        %get3A_365 = vector.shape_cast %get3A_364 : vector<1x16xf32> to vector<16xf32>
        %mul3A_366 = arith.mulf %get3A_361, %get3A_365 : vector<16xf32>
        %swap3A_367 = arith.index_cast %scan3A_301 : i32 to index
        %swap3A_368 = arith.constant 64 : index
        %swap3A_369 = tpu.vector_load %arg11[%swap3A_367, %swap3A_368] {strides = array<i32>} : memref<80x128xf32, #tpu.memory_space<vmem>>, vector<1x16xf32>,
        %swap3A_370 = vector.shape_cast %swap3A_369 : vector<1x16xf32> to vector<16xf32>
        %swap3A_371 = vector.shape_cast %mul3A_366 : vector<16xf32> to vector<1x16xf32>
        tpu.vector_store %arg11[%swap3A_367, %swap3A_368], %swap3A_371 {strides = array<i32>} : memref<80x128xf32, #tpu.memory_space<vmem>>, vector<1x16xf32>,
        %get3A_372 = arith.index_cast %scan3A_301 : i32 to index
        %get3A_373 = arith.constant 80 : index
        %get3A_374 = tpu.vector_load %arg11[%get3A_372, %get3A_373] {strides = array<i32>} : memref<80x128xf32, #tpu.memory_space<vmem>>, vector<1x16xf32>,
        %get3A_375 = vector.shape_cast %get3A_374 : vector<1x16xf32> to vector<16xf32>
        %get3A_376 = arith.index_cast %scan3A_301 : i32 to index
        %get3A_377 = arith.constant 80 : index
        %get3A_378 = tpu.vector_load %arg13[%get3A_376, %get3A_377] {strides = array<i32>} : memref<80x128xf32, #tpu.memory_space<vmem>>, vector<1x16xf32>,
        %get3A_379 = vector.shape_cast %get3A_378 : vector<1x16xf32> to vector<16xf32>
        %mul3A_380 = arith.mulf %get3A_375, %get3A_379 : vector<16xf32>
        %swap3A_381 = arith.index_cast %scan3A_301 : i32 to index
        %swap3A_382 = arith.constant 80 : index
        %swap3A_383 = tpu.vector_load %arg11[%swap3A_381, %swap3A_382] {strides = array<i32>} : memref<80x128xf32, #tpu.memory_space<vmem>>, vector<1x16xf32>,
        %swap3A_384 = vector.shape_cast %swap3A_383 : vector<1x16xf32> to vector<16xf32>
        %swap3A_385 = vector.shape_cast %mul3A_380 : vector<16xf32> to vector<1x16xf32>
        tpu.vector_store %arg11[%swap3A_381, %swap3A_382], %swap3A_385 {strides = array<i32>} : memref<80x128xf32, #tpu.memory_space<vmem>>, vector<1x16xf32>,
        %get3A_386 = arith.index_cast %scan3A_301 : i32 to index
        %get3A_387 = arith.constant 96 : index
        %get3A_388 = tpu.vector_load %arg11[%get3A_386, %get3A_387] {strides = array<i32>} : memref<80x128xf32, #tpu.memory_space<vmem>>, vector<1x16xf32>,
        %get3A_389 = vector.shape_cast %get3A_388 : vector<1x16xf32> to vector<16xf32>
        %get3A_390 = arith.index_cast %scan3A_301 : i32 to index
        %get3A_391 = arith.constant 96 : index
        %get3A_392 = tpu.vector_load %arg13[%get3A_390, %get3A_391] {strides = array<i32>} : memref<80x128xf32, #tpu.memory_space<vmem>>, vector<1x16xf32>,
        %get3A_393 = vector.shape_cast %get3A_392 : vector<1x16xf32> to vector<16xf32>
        %mul3A_394 = arith.mulf %get3A_389, %get3A_393 : vector<16xf32>
        %swap3A_395 = arith.index_cast %scan3A_301 : i32 to index
        %swap3A_396 = arith.constant 96 : index
        %swap3A_397 = tpu.vector_load %arg11[%swap3A_395, %swap3A_396] {strides = array<i32>} : memref<80x128xf32, #tpu.memory_space<vmem>>, vector<1x16xf32>,
        %swap3A_398 = vector.shape_cast %swap3A_397 : vector<1x16xf32> to vector<16xf32>
        %swap3A_399 = vector.shape_cast %mul3A_394 : vector<16xf32> to vector<1x16xf32>
        tpu.vector_store %arg11[%swap3A_395, %swap3A_396], %swap3A_399 {strides = array<i32>} : memref<80x128xf32, #tpu.memory_space<vmem>>, vector<1x16xf32>,
        %get3A_400 = arith.index_cast %scan3A_301 : i32 to index
        %get3A_401 = arith.constant 112 : index
        %get3A_402 = tpu.vector_load %arg11[%get3A_400, %get3A_401] {strides = array<i32>} : memref<80x128xf32, #tpu.memory_space<vmem>>, vector<1x16xf32>,
        %get3A_403 = vector.shape_cast %get3A_402 : vector<1x16xf32> to vector<16xf32>
        %get3A_404 = arith.index_cast %scan3A_301 : i32 to index
        %get3A_405 = arith.constant 112 : index
        %get3A_406 = tpu.vector_load %arg13[%get3A_404, %get3A_405] {strides = array<i32>} : memref<80x128xf32, #tpu.memory_space<vmem>>, vector<1x16xf32>,
        %get3A_407 = vector.shape_cast %get3A_406 : vector<1x16xf32> to vector<16xf32>
        %mul3A_408 = arith.mulf %get3A_403, %get3A_407 : vector<16xf32>
        %swap3A_409 = arith.index_cast %scan3A_301 : i32 to index
        %swap3A_410 = arith.constant 112 : index
        %swap3A_411 = tpu.vector_load %arg11[%swap3A_409, %swap3A_410] {strides = array<i32>} : memref<80x128xf32, #tpu.memory_space<vmem>>, vector<1x16xf32>,
        %swap3A_412 = vector.shape_cast %swap3A_411 : vector<1x16xf32> to vector<16xf32>
        %swap3A_413 = vector.shape_cast %mul3A_408 : vector<16xf32> to vector<1x16xf32>
        tpu.vector_store %arg11[%swap3A_409, %swap3A_410], %swap3A_413 {strides = array<i32>} : memref<80x128xf32, #tpu.memory_space<vmem>>, vector<1x16xf32>,
      }
      %scan3A_144 = arith.constant 80 : i32
      "tpu.region"() ({
        %run_scoped3A = tpu.sem_alloc : memref<!tpu.dma_semaphore, #tpu.memory_space<semaphore_mem>>
        %dma_start3A_189 = arith.constant 0 : i32
        %dma_start3A_190 = arith.constant 0 : i32
        %dma_start3A_191 = tpu.memref_slice %arg15[%dma_start3A_189, %dma_start3A_190] : memref<10240x128xf32, #tpu.memory_space<vmem_shared>> -> memref<10240x128xf32, #tpu.memory_space<vmem_shared>>
        tpu.enqueue_indirect_dma source(%arg11 : memref<80x128xf32, #tpu.memory_space<vmem>>) target(%dma_start3A_191 : memref<10240x128xf32, #tpu.memory_space<vmem_shared>>) offsets(%arg9 : memref<80xi32, #tpu.memory_space<vmem>>) semaphore(%run_scoped3A : memref<!tpu.dma_semaphore, #tpu.memory_space<semaphore_mem>>) {add = true}
        %dma_wait3A_192 = arith.constant 0 : i32
        %dma_wait3A_193 = arith.constant 0 : i32
        %dma_wait3A_194 = tpu.memref_slice %arg15[%dma_wait3A_192, %dma_wait3A_193] : memref<10240x128xf32, #tpu.memory_space<vmem_shared>> -> memref<10240x128xf32, #tpu.memory_space<vmem_shared>>
        tpu.wait_indirect_dma semaphore(%run_scoped3A : memref<!tpu.dma_semaphore, #tpu.memory_space<semaphore_mem>>) src(%arg11 : memref<80x128xf32, #tpu.memory_space<vmem>>) dst(%dma_wait3A_194 : memref<10240x128xf32, #tpu.memory_space<vmem_shared>>)
        tpu.yield
      }) : () -> ()
      %add3A_145 = arith.constant 2 : i32
      %add3A_146 = arith.addi %add3A_118, %add3A_145 : i32
      %lt3A_147 = arith.constant 250 : i32
      %lt3A_148 = arith.cmpi slt, %add3A_146, %lt3A_147 : i32
      %convert_element_type3A_149 = arith.extui %lt3A_148 : i1 to i32
      %cond3A_150 = arith.constant 0 : i32
      %cond3A_151 = arith.cmpi ne, %convert_element_type3A_149, %cond3A_150 : i32
      scf.if %cond3A_151 {
        %add3A_189 = arith.constant 2 : i32
        %add3A_190 = arith.addi %add3A_118, %add3A_189 : i32
        %mul3A_191 = arith.constant 80 : i32
        %mul3A_192 = arith.muli %add3A_190, %mul3A_191 : i32
        %add3A_193 = arith.addi %mul3A_36, %mul3A_192 : i32
        %dma_start3A_194 = tpu.memref_slice %arg4[%add3A_193] : memref<320000xi32, #tpu.memory_space<hbm>> -> memref<80xi32, #tpu.memory_space<hbm>>
        %dma_start3A_195 = tpu.memref_slice %arg4[%add3A_193] : memref<320000xi32, #tpu.memory_space<hbm>> -> memref<80xi32, #tpu.memory_space<hbm>>
        tpu.enqueue_dma source(%dma_start3A_195 : memref<80xi32, #tpu.memory_space<hbm>>) target(%arg7 : memref<80xi32, #tpu.memory_space<vmem>>) target_semaphore(%arg20 : memref<!tpu.dma_semaphore, #tpu.memory_space<semaphore_mem>>)
        %mul3A_196 = arith.constant 80 : i32
        %mul3A_197 = arith.muli %add3A_190, %mul3A_196 : i32
        %add3A_198 = arith.addi %mul3A_36, %mul3A_197 : i32
        %dma_start3A_199 = tpu.memref_slice %arg5[%add3A_198] : memref<320000xi32, #tpu.memory_space<hbm>> -> memref<80xi32, #tpu.memory_space<hbm>>
        %dma_start3A_200 = tpu.memref_slice %arg5[%add3A_198] : memref<320000xi32, #tpu.memory_space<hbm>> -> memref<80xi32, #tpu.memory_space<hbm>>
        tpu.enqueue_dma source(%dma_start3A_200 : memref<80xi32, #tpu.memory_space<hbm>>) target(%arg9 : memref<80xi32, #tpu.memory_space<vmem>>) target_semaphore(%arg20 : memref<!tpu.dma_semaphore, #tpu.memory_space<semaphore_mem>>)
      } else {
      }
      %mul3A_152 = arith.constant 2 : i32
      %mul3A_153 = arith.muli %mul3A_152, %scan3A_114 : i32
      %add3A_154 = arith.constant 1 : i32
      %add3A_155 = arith.addi %mul3A_153, %add3A_154 : i32
      %add3A_156 = arith.constant 1 : i32
      %add3A_157 = arith.addi %add3A_155, %add3A_156 : i32
      %lt3A_158 = arith.constant 250 : i32
      %lt3A_159 = arith.cmpi slt, %add3A_157, %lt3A_158 : i32
      %convert_element_type3A_160 = arith.extui %lt3A_159 : i1 to i32
      %cond3A_161 = arith.constant 0 : i32
      %cond3A_162 = arith.cmpi ne, %convert_element_type3A_160, %cond3A_161 : i32
      scf.if %cond3A_162 {
        %add3A_189 = arith.constant 1 : i32
        %add3A_190 = arith.addi %add3A_155, %add3A_189 : i32
        %mul3A_191 = arith.constant 80 : i32
        %mul3A_192 = arith.muli %add3A_190, %mul3A_191 : i32
        %add3A_193 = arith.addi %mul3A_36, %mul3A_192 : i32
        %dma_wait3A_194 = tpu.memref_slice %arg4[%add3A_193] : memref<320000xi32, #tpu.memory_space<hbm>> -> memref<80xi32, #tpu.memory_space<hbm>>
        %dma_wait3A_195 = tpu.memref_slice %arg4[%add3A_193] : memref<320000xi32, #tpu.memory_space<hbm>> -> memref<80xi32, #tpu.memory_space<hbm>>
        tpu.wait_dma2 semaphore(%arg20 : memref<!tpu.dma_semaphore, #tpu.memory_space<semaphore_mem>>) src(%dma_wait3A_195 : memref<80xi32, #tpu.memory_space<hbm>>) dst(%arg7 : memref<80xi32, #tpu.memory_space<vmem>>)
        %mul3A_196 = arith.constant 80 : i32
        %mul3A_197 = arith.muli %add3A_190, %mul3A_196 : i32
        %add3A_198 = arith.addi %mul3A_36, %mul3A_197 : i32
        %dma_wait3A_199 = tpu.memref_slice %arg5[%add3A_198] : memref<320000xi32, #tpu.memory_space<hbm>> -> memref<80xi32, #tpu.memory_space<hbm>>
        %dma_wait3A_200 = tpu.memref_slice %arg5[%add3A_198] : memref<320000xi32, #tpu.memory_space<hbm>> -> memref<80xi32, #tpu.memory_space<hbm>>
        tpu.wait_dma2 semaphore(%arg20 : memref<!tpu.dma_semaphore, #tpu.memory_space<semaphore_mem>>) src(%dma_wait3A_200 : memref<80xi32, #tpu.memory_space<hbm>>) dst(%arg9 : memref<80xi32, #tpu.memory_space<vmem>>)
        %add3A_201 = arith.constant 1 : i32
        %add3A_202 = arith.addi %add3A_155, %add3A_201 : i32
        %dma_start3A_203 = arith.constant 0 : i32
        %dma_start3A_204 = arith.constant 0 : i32
        %dma_start3A_205 = tpu.memref_slice %arg2[%dma_start3A_203, %dma_start3A_204] : memref<10000x128xf32, #tpu.memory_space<hbm>> -> memref<10000x128xf32, #tpu.memory_space<hbm>>
        tpu.enqueue_indirect_dma source(%dma_start3A_205 : memref<10000x128xf32, #tpu.memory_space<hbm>>) target(%arg11 : memref<80x128xf32, #tpu.memory_space<vmem>>) offsets(%arg7 : memref<80xi32, #tpu.memory_space<vmem>>) semaphore(%arg16 : memref<!tpu.dma_semaphore, #tpu.memory_space<semaphore_mem>>)
        %mul3A_206 = arith.constant 320000 : i32
        %mul3A_207 = arith.muli %arg0, %mul3A_206 : i32
        %add3A_208 = arith.addi %mul3A_207, %mul3A_36 : i32
        %mul3A_209 = arith.constant 80 : i32
        %mul3A_210 = arith.muli %add3A_202, %mul3A_209 : i32
        %add3A_211 = arith.addi %add3A_208, %mul3A_210 : i32
        %dma_start3A_212 = arith.constant 0 : i32
        %dma_start3A_213 = tpu.memref_slice %arg3[%add3A_211, %dma_start3A_212] : memref<640000x128xf32, #tpu.memory_space<hbm>> -> memref<80x128xf32, #tpu.memory_space<hbm>>
        %dma_start3A_214 = arith.constant 0 : i32
        %dma_start3A_215 = tpu.memref_slice %arg3[%add3A_211, %dma_start3A_214] : memref<640000x128xf32, #tpu.memory_space<hbm>> -> memref<80x128xf32, #tpu.memory_space<hbm>>
        tpu.enqueue_dma source(%dma_start3A_215 : memref<80x128xf32, #tpu.memory_space<hbm>>) target(%arg13 : memref<80x128xf32, #tpu.memory_space<vmem>>) target_semaphore(%arg18 : memref<!tpu.dma_semaphore, #tpu.memory_space<semaphore_mem>>)
      } else {
      }
      %dma_wait3A_163 = arith.constant 0 : i32
      %dma_wait3A_164 = arith.constant 0 : i32
      %dma_wait3A_165 = tpu.memref_slice %arg2[%dma_wait3A_163, %dma_wait3A_164] : memref<10000x128xf32, #tpu.memory_space<hbm>> -> memref<10000x128xf32, #tpu.memory_space<hbm>>
      tpu.wait_indirect_dma semaphore(%arg17 : memref<!tpu.dma_semaphore, #tpu.memory_space<semaphore_mem>>) src(%dma_wait3A_165 : memref<10000x128xf32, #tpu.memory_space<hbm>>) dst(%arg12 : memref<80x128xf32, #tpu.memory_space<vmem>>)
      %mul3A_166 = arith.constant 320000 : i32
      %mul3A_167 = arith.muli %arg0, %mul3A_166 : i32
      %add3A_168 = arith.addi %mul3A_167, %mul3A_36 : i32
      %mul3A_169 = arith.constant 80 : i32
      %mul3A_170 = arith.muli %add3A_155, %mul3A_169 : i32
      %add3A_171 = arith.addi %add3A_168, %mul3A_170 : i32
      %dma_wait3A_172 = arith.constant 0 : i32
      %dma_wait3A_173 = tpu.memref_slice %arg3[%add3A_171, %dma_wait3A_172] : memref<640000x128xf32, #tpu.memory_space<hbm>> -> memref<80x128xf32, #tpu.memory_space<hbm>>
      %dma_wait3A_174 = arith.constant 0 : i32
      %dma_wait3A_175 = tpu.memref_slice %arg3[%add3A_171, %dma_wait3A_174] : memref<640000x128xf32, #tpu.memory_space<hbm>> -> memref<80x128xf32, #tpu.memory_space<hbm>>
      tpu.wait_dma2 semaphore(%arg19 : memref<!tpu.dma_semaphore, #tpu.memory_space<semaphore_mem>>) src(%dma_wait3A_175 : memref<80x128xf32, #tpu.memory_space<hbm>>) dst(%arg14 : memref<80x128xf32, #tpu.memory_space<vmem>>)
      %scan3A_176 = arith.constant 0 : i32
      %scan3A_177 = arith.constant 0 : i32
      %scan3A_178 = arith.constant 80 : i32
      %scan3A_179 = arith.addi %scan3A_177, %scan3A_178 : i32
      %scan3A_180 = arith.constant 2 : i32
      scf.for %scan3A_189 = %scan3A_177 to %scan3A_179 step %scan3A_180  : i32 {
        %get3A = arith.index_cast %scan3A_189 : i32 to index
        %get3A_190 = arith.constant 0 : index
        %get3A_191 = tpu.vector_load %arg12[%get3A, %get3A_190] {strides = array<i32>} : memref<80x128xf32, #tpu.memory_space<vmem>>, vector<1x16xf32>,
        %get3A_192 = vector.shape_cast %get3A_191 : vector<1x16xf32> to vector<16xf32>
        %get3A_193 = arith.index_cast %scan3A_189 : i32 to index
        %get3A_194 = arith.constant 0 : index
        %get3A_195 = tpu.vector_load %arg14[%get3A_193, %get3A_194] {strides = array<i32>} : memref<80x128xf32, #tpu.memory_space<vmem>>, vector<1x16xf32>,
        %get3A_196 = vector.shape_cast %get3A_195 : vector<1x16xf32> to vector<16xf32>
        %mul3A_197 = arith.mulf %get3A_192, %get3A_196 : vector<16xf32>
        %swap3A = arith.index_cast %scan3A_189 : i32 to index
        %swap3A_198 = arith.constant 0 : index
        %swap3A_199 = tpu.vector_load %arg12[%swap3A, %swap3A_198] {strides = array<i32>} : memref<80x128xf32, #tpu.memory_space<vmem>>, vector<1x16xf32>,
        %swap3A_200 = vector.shape_cast %swap3A_199 : vector<1x16xf32> to vector<16xf32>
        %swap3A_201 = vector.shape_cast %mul3A_197 : vector<16xf32> to vector<1x16xf32>
        tpu.vector_store %arg12[%swap3A, %swap3A_198], %swap3A_201 {strides = array<i32>} : memref<80x128xf32, #tpu.memory_space<vmem>>, vector<1x16xf32>,
        %get3A_202 = arith.index_cast %scan3A_189 : i32 to index
        %get3A_203 = arith.constant 16 : index
        %get3A_204 = tpu.vector_load %arg12[%get3A_202, %get3A_203] {strides = array<i32>} : memref<80x128xf32, #tpu.memory_space<vmem>>, vector<1x16xf32>,
        %get3A_205 = vector.shape_cast %get3A_204 : vector<1x16xf32> to vector<16xf32>
        %get3A_206 = arith.index_cast %scan3A_189 : i32 to index
        %get3A_207 = arith.constant 16 : index
        %get3A_208 = tpu.vector_load %arg14[%get3A_206, %get3A_207] {strides = array<i32>} : memref<80x128xf32, #tpu.memory_space<vmem>>, vector<1x16xf32>,
        %get3A_209 = vector.shape_cast %get3A_208 : vector<1x16xf32> to vector<16xf32>
        %mul3A_210 = arith.mulf %get3A_205, %get3A_209 : vector<16xf32>
        %swap3A_211 = arith.index_cast %scan3A_189 : i32 to index
        %swap3A_212 = arith.constant 16 : index
        %swap3A_213 = tpu.vector_load %arg12[%swap3A_211, %swap3A_212] {strides = array<i32>} : memref<80x128xf32, #tpu.memory_space<vmem>>, vector<1x16xf32>,
        %swap3A_214 = vector.shape_cast %swap3A_213 : vector<1x16xf32> to vector<16xf32>
        %swap3A_215 = vector.shape_cast %mul3A_210 : vector<16xf32> to vector<1x16xf32>
        tpu.vector_store %arg12[%swap3A_211, %swap3A_212], %swap3A_215 {strides = array<i32>} : memref<80x128xf32, #tpu.memory_space<vmem>>, vector<1x16xf32>,
        %get3A_216 = arith.index_cast %scan3A_189 : i32 to index
        %get3A_217 = arith.constant 32 : index
        %get3A_218 = tpu.vector_load %arg12[%get3A_216, %get3A_217] {strides = array<i32>} : memref<80x128xf32, #tpu.memory_space<vmem>>, vector<1x16xf32>,
        %get3A_219 = vector.shape_cast %get3A_218 : vector<1x16xf32> to vector<16xf32>
        %get3A_220 = arith.index_cast %scan3A_189 : i32 to index
        %get3A_221 = arith.constant 32 : index
        %get3A_222 = tpu.vector_load %arg14[%get3A_220, %get3A_221] {strides = array<i32>} : memref<80x128xf32, #tpu.memory_space<vmem>>, vector<1x16xf32>,
        %get3A_223 = vector.shape_cast %get3A_222 : vector<1x16xf32> to vector<16xf32>
        %mul3A_224 = arith.mulf %get3A_219, %get3A_223 : vector<16xf32>
        %swap3A_225 = arith.index_cast %scan3A_189 : i32 to index
        %swap3A_226 = arith.constant 32 : index
        %swap3A_227 = tpu.vector_load %arg12[%swap3A_225, %swap3A_226] {strides = array<i32>} : memref<80x128xf32, #tpu.memory_space<vmem>>, vector<1x16xf32>,
        %swap3A_228 = vector.shape_cast %swap3A_227 : vector<1x16xf32> to vector<16xf32>
        %swap3A_229 = vector.shape_cast %mul3A_224 : vector<16xf32> to vector<1x16xf32>
        tpu.vector_store %arg12[%swap3A_225, %swap3A_226], %swap3A_229 {strides = array<i32>} : memref<80x128xf32, #tpu.memory_space<vmem>>, vector<1x16xf32>,
        %get3A_230 = arith.index_cast %scan3A_189 : i32 to index
        %get3A_231 = arith.constant 48 : index
        %get3A_232 = tpu.vector_load %arg12[%get3A_230, %get3A_231] {strides = array<i32>} : memref<80x128xf32, #tpu.memory_space<vmem>>, vector<1x16xf32>,
        %get3A_233 = vector.shape_cast %get3A_232 : vector<1x16xf32> to vector<16xf32>
        %get3A_234 = arith.index_cast %scan3A_189 : i32 to index
        %get3A_235 = arith.constant 48 : index
        %get3A_236 = tpu.vector_load %arg14[%get3A_234, %get3A_235] {strides = array<i32>} : memref<80x128xf32, #tpu.memory_space<vmem>>, vector<1x16xf32>,
        %get3A_237 = vector.shape_cast %get3A_236 : vector<1x16xf32> to vector<16xf32>
        %mul3A_238 = arith.mulf %get3A_233, %get3A_237 : vector<16xf32>
        %swap3A_239 = arith.index_cast %scan3A_189 : i32 to index
        %swap3A_240 = arith.constant 48 : index
        %swap3A_241 = tpu.vector_load %arg12[%swap3A_239, %swap3A_240] {strides = array<i32>} : memref<80x128xf32, #tpu.memory_space<vmem>>, vector<1x16xf32>,
        %swap3A_242 = vector.shape_cast %swap3A_241 : vector<1x16xf32> to vector<16xf32>
        %swap3A_243 = vector.shape_cast %mul3A_238 : vector<16xf32> to vector<1x16xf32>
        tpu.vector_store %arg12[%swap3A_239, %swap3A_240], %swap3A_243 {strides = array<i32>} : memref<80x128xf32, #tpu.memory_space<vmem>>, vector<1x16xf32>,
        %get3A_244 = arith.index_cast %scan3A_189 : i32 to index
        %get3A_245 = arith.constant 64 : index
        %get3A_246 = tpu.vector_load %arg12[%get3A_244, %get3A_245] {strides = array<i32>} : memref<80x128xf32, #tpu.memory_space<vmem>>, vector<1x16xf32>,
        %get3A_247 = vector.shape_cast %get3A_246 : vector<1x16xf32> to vector<16xf32>
        %get3A_248 = arith.index_cast %scan3A_189 : i32 to index
        %get3A_249 = arith.constant 64 : index
        %get3A_250 = tpu.vector_load %arg14[%get3A_248, %get3A_249] {strides = array<i32>} : memref<80x128xf32, #tpu.memory_space<vmem>>, vector<1x16xf32>,
        %get3A_251 = vector.shape_cast %get3A_250 : vector<1x16xf32> to vector<16xf32>
        %mul3A_252 = arith.mulf %get3A_247, %get3A_251 : vector<16xf32>
        %swap3A_253 = arith.index_cast %scan3A_189 : i32 to index
        %swap3A_254 = arith.constant 64 : index
        %swap3A_255 = tpu.vector_load %arg12[%swap3A_253, %swap3A_254] {strides = array<i32>} : memref<80x128xf32, #tpu.memory_space<vmem>>, vector<1x16xf32>,
        %swap3A_256 = vector.shape_cast %swap3A_255 : vector<1x16xf32> to vector<16xf32>
        %swap3A_257 = vector.shape_cast %mul3A_252 : vector<16xf32> to vector<1x16xf32>
        tpu.vector_store %arg12[%swap3A_253, %swap3A_254], %swap3A_257 {strides = array<i32>} : memref<80x128xf32, #tpu.memory_space<vmem>>, vector<1x16xf32>,
        %get3A_258 = arith.index_cast %scan3A_189 : i32 to index
        %get3A_259 = arith.constant 80 : index
        %get3A_260 = tpu.vector_load %arg12[%get3A_258, %get3A_259] {strides = array<i32>} : memref<80x128xf32, #tpu.memory_space<vmem>>, vector<1x16xf32>,
        %get3A_261 = vector.shape_cast %get3A_260 : vector<1x16xf32> to vector<16xf32>
        %get3A_262 = arith.index_cast %scan3A_189 : i32 to index
        %get3A_263 = arith.constant 80 : index
        %get3A_264 = tpu.vector_load %arg14[%get3A_262, %get3A_263] {strides = array<i32>} : memref<80x128xf32, #tpu.memory_space<vmem>>, vector<1x16xf32>,
        %get3A_265 = vector.shape_cast %get3A_264 : vector<1x16xf32> to vector<16xf32>
        %mul3A_266 = arith.mulf %get3A_261, %get3A_265 : vector<16xf32>
        %swap3A_267 = arith.index_cast %scan3A_189 : i32 to index
        %swap3A_268 = arith.constant 80 : index
        %swap3A_269 = tpu.vector_load %arg12[%swap3A_267, %swap3A_268] {strides = array<i32>} : memref<80x128xf32, #tpu.memory_space<vmem>>, vector<1x16xf32>,
        %swap3A_270 = vector.shape_cast %swap3A_269 : vector<1x16xf32> to vector<16xf32>
        %swap3A_271 = vector.shape_cast %mul3A_266 : vector<16xf32> to vector<1x16xf32>
        tpu.vector_store %arg12[%swap3A_267, %swap3A_268], %swap3A_271 {strides = array<i32>} : memref<80x128xf32, #tpu.memory_space<vmem>>, vector<1x16xf32>,
        %get3A_272 = arith.index_cast %scan3A_189 : i32 to index
        %get3A_273 = arith.constant 96 : index
        %get3A_274 = tpu.vector_load %arg12[%get3A_272, %get3A_273] {strides = array<i32>} : memref<80x128xf32, #tpu.memory_space<vmem>>, vector<1x16xf32>,
        %get3A_275 = vector.shape_cast %get3A_274 : vector<1x16xf32> to vector<16xf32>
        %get3A_276 = arith.index_cast %scan3A_189 : i32 to index
        %get3A_277 = arith.constant 96 : index
        %get3A_278 = tpu.vector_load %arg14[%get3A_276, %get3A_277] {strides = array<i32>} : memref<80x128xf32, #tpu.memory_space<vmem>>, vector<1x16xf32>,
        %get3A_279 = vector.shape_cast %get3A_278 : vector<1x16xf32> to vector<16xf32>
        %mul3A_280 = arith.mulf %get3A_275, %get3A_279 : vector<16xf32>
        %swap3A_281 = arith.index_cast %scan3A_189 : i32 to index
        %swap3A_282 = arith.constant 96 : index
        %swap3A_283 = tpu.vector_load %arg12[%swap3A_281, %swap3A_282] {strides = array<i32>} : memref<80x128xf32, #tpu.memory_space<vmem>>, vector<1x16xf32>,
        %swap3A_284 = vector.shape_cast %swap3A_283 : vector<1x16xf32> to vector<16xf32>
        %swap3A_285 = vector.shape_cast %mul3A_280 : vector<16xf32> to vector<1x16xf32>
        tpu.vector_store %arg12[%swap3A_281, %swap3A_282], %swap3A_285 {strides = array<i32>} : memref<80x128xf32, #tpu.memory_space<vmem>>, vector<1x16xf32>,
        %get3A_286 = arith.index_cast %scan3A_189 : i32 to index
        %get3A_287 = arith.constant 112 : index
        %get3A_288 = tpu.vector_load %arg12[%get3A_286, %get3A_287] {strides = array<i32>} : memref<80x128xf32, #tpu.memory_space<vmem>>, vector<1x16xf32>,
        %get3A_289 = vector.shape_cast %get3A_288 : vector<1x16xf32> to vector<16xf32>
        %get3A_290 = arith.index_cast %scan3A_189 : i32 to index
        %get3A_291 = arith.constant 112 : index
        %get3A_292 = tpu.vector_load %arg14[%get3A_290, %get3A_291] {strides = array<i32>} : memref<80x128xf32, #tpu.memory_space<vmem>>, vector<1x16xf32>,
        %get3A_293 = vector.shape_cast %get3A_292 : vector<1x16xf32> to vector<16xf32>
        %mul3A_294 = arith.mulf %get3A_289, %get3A_293 : vector<16xf32>
        %swap3A_295 = arith.index_cast %scan3A_189 : i32 to index
        %swap3A_296 = arith.constant 112 : index
        %swap3A_297 = tpu.vector_load %arg12[%swap3A_295, %swap3A_296] {strides = array<i32>} : memref<80x128xf32, #tpu.memory_space<vmem>>, vector<1x16xf32>,
        %swap3A_298 = vector.shape_cast %swap3A_297 : vector<1x16xf32> to vector<16xf32>
        %swap3A_299 = vector.shape_cast %mul3A_294 : vector<16xf32> to vector<1x16xf32>
        tpu.vector_store %arg12[%swap3A_295, %swap3A_296], %swap3A_299 {strides = array<i32>} : memref<80x128xf32, #tpu.memory_space<vmem>>, vector<1x16xf32>,
        %scan3A_300 = arith.constant 1 : i32
        %scan3A_301 = arith.addi %scan3A_189, %scan3A_300 : i32
        %get3A_302 = arith.index_cast %scan3A_301 : i32 to index
        %get3A_303 = arith.constant 0 : index
        %get3A_304 = tpu.vector_load %arg12[%get3A_302, %get3A_303] {strides = array<i32>} : memref<80x128xf32, #tpu.memory_space<vmem>>, vector<1x16xf32>,
        %get3A_305 = vector.shape_cast %get3A_304 : vector<1x16xf32> to vector<16xf32>
        %get3A_306 = arith.index_cast %scan3A_301 : i32 to index
        %get3A_307 = arith.constant 0 : index
        %get3A_308 = tpu.vector_load %arg14[%get3A_306, %get3A_307] {strides = array<i32>} : memref<80x128xf32, #tpu.memory_space<vmem>>, vector<1x16xf32>,
        %get3A_309 = vector.shape_cast %get3A_308 : vector<1x16xf32> to vector<16xf32>
        %mul3A_310 = arith.mulf %get3A_305, %get3A_309 : vector<16xf32>
        %swap3A_311 = arith.index_cast %scan3A_301 : i32 to index
        %swap3A_312 = arith.constant 0 : index
        %swap3A_313 = tpu.vector_load %arg12[%swap3A_311, %swap3A_312] {strides = array<i32>} : memref<80x128xf32, #tpu.memory_space<vmem>>, vector<1x16xf32>,
        %swap3A_314 = vector.shape_cast %swap3A_313 : vector<1x16xf32> to vector<16xf32>
        %swap3A_315 = vector.shape_cast %mul3A_310 : vector<16xf32> to vector<1x16xf32>
        tpu.vector_store %arg12[%swap3A_311, %swap3A_312], %swap3A_315 {strides = array<i32>} : memref<80x128xf32, #tpu.memory_space<vmem>>, vector<1x16xf32>,
        %get3A_316 = arith.index_cast %scan3A_301 : i32 to index
        %get3A_317 = arith.constant 16 : index
        %get3A_318 = tpu.vector_load %arg12[%get3A_316, %get3A_317] {strides = array<i32>} : memref<80x128xf32, #tpu.memory_space<vmem>>, vector<1x16xf32>,
        %get3A_319 = vector.shape_cast %get3A_318 : vector<1x16xf32> to vector<16xf32>
        %get3A_320 = arith.index_cast %scan3A_301 : i32 to index
        %get3A_321 = arith.constant 16 : index
        %get3A_322 = tpu.vector_load %arg14[%get3A_320, %get3A_321] {strides = array<i32>} : memref<80x128xf32, #tpu.memory_space<vmem>>, vector<1x16xf32>,
        %get3A_323 = vector.shape_cast %get3A_322 : vector<1x16xf32> to vector<16xf32>
        %mul3A_324 = arith.mulf %get3A_319, %get3A_323 : vector<16xf32>
        %swap3A_325 = arith.index_cast %scan3A_301 : i32 to index
        %swap3A_326 = arith.constant 16 : index
        %swap3A_327 = tpu.vector_load %arg12[%swap3A_325, %swap3A_326] {strides = array<i32>} : memref<80x128xf32, #tpu.memory_space<vmem>>, vector<1x16xf32>,
        %swap3A_328 = vector.shape_cast %swap3A_327 : vector<1x16xf32> to vector<16xf32>
        %swap3A_329 = vector.shape_cast %mul3A_324 : vector<16xf32> to vector<1x16xf32>
        tpu.vector_store %arg12[%swap3A_325, %swap3A_326], %swap3A_329 {strides = array<i32>} : memref<80x128xf32, #tpu.memory_space<vmem>>, vector<1x16xf32>,
        %get3A_330 = arith.index_cast %scan3A_301 : i32 to index
        %get3A_331 = arith.constant 32 : index
        %get3A_332 = tpu.vector_load %arg12[%get3A_330, %get3A_331] {strides = array<i32>} : memref<80x128xf32, #tpu.memory_space<vmem>>, vector<1x16xf32>,
        %get3A_333 = vector.shape_cast %get3A_332 : vector<1x16xf32> to vector<16xf32>
        %get3A_334 = arith.index_cast %scan3A_301 : i32 to index
        %get3A_335 = arith.constant 32 : index
        %get3A_336 = tpu.vector_load %arg14[%get3A_334, %get3A_335] {strides = array<i32>} : memref<80x128xf32, #tpu.memory_space<vmem>>, vector<1x16xf32>,
        %get3A_337 = vector.shape_cast %get3A_336 : vector<1x16xf32> to vector<16xf32>
        %mul3A_338 = arith.mulf %get3A_333, %get3A_337 : vector<16xf32>
        %swap3A_339 = arith.index_cast %scan3A_301 : i32 to index
        %swap3A_340 = arith.constant 32 : index
        %swap3A_341 = tpu.vector_load %arg12[%swap3A_339, %swap3A_340] {strides = array<i32>} : memref<80x128xf32, #tpu.memory_space<vmem>>, vector<1x16xf32>,
        %swap3A_342 = vector.shape_cast %swap3A_341 : vector<1x16xf32> to vector<16xf32>
        %swap3A_343 = vector.shape_cast %mul3A_338 : vector<16xf32> to vector<1x16xf32>
        tpu.vector_store %arg12[%swap3A_339, %swap3A_340], %swap3A_343 {strides = array<i32>} : memref<80x128xf32, #tpu.memory_space<vmem>>, vector<1x16xf32>,
        %get3A_344 = arith.index_cast %scan3A_301 : i32 to index
        %get3A_345 = arith.constant 48 : index
        %get3A_346 = tpu.vector_load %arg12[%get3A_344, %get3A_345] {strides = array<i32>} : memref<80x128xf32, #tpu.memory_space<vmem>>, vector<1x16xf32>,
        %get3A_347 = vector.shape_cast %get3A_346 : vector<1x16xf32> to vector<16xf32>
        %get3A_348 = arith.index_cast %scan3A_301 : i32 to index
        %get3A_349 = arith.constant 48 : index
        %get3A_350 = tpu.vector_load %arg14[%get3A_348, %get3A_349] {strides = array<i32>} : memref<80x128xf32, #tpu.memory_space<vmem>>, vector<1x16xf32>,
        %get3A_351 = vector.shape_cast %get3A_350 : vector<1x16xf32> to vector<16xf32>
        %mul3A_352 = arith.mulf %get3A_347, %get3A_351 : vector<16xf32>
        %swap3A_353 = arith.index_cast %scan3A_301 : i32 to index
        %swap3A_354 = arith.constant 48 : index
        %swap3A_355 = tpu.vector_load %arg12[%swap3A_353, %swap3A_354] {strides = array<i32>} : memref<80x128xf32, #tpu.memory_space<vmem>>, vector<1x16xf32>,
        %swap3A_356 = vector.shape_cast %swap3A_355 : vector<1x16xf32> to vector<16xf32>
        %swap3A_357 = vector.shape_cast %mul3A_352 : vector<16xf32> to vector<1x16xf32>
        tpu.vector_store %arg12[%swap3A_353, %swap3A_354], %swap3A_357 {strides = array<i32>} : memref<80x128xf32, #tpu.memory_space<vmem>>, vector<1x16xf32>,
        %get3A_358 = arith.index_cast %scan3A_301 : i32 to index
        %get3A_359 = arith.constant 64 : index
        %get3A_360 = tpu.vector_load %arg12[%get3A_358, %get3A_359] {strides = array<i32>} : memref<80x128xf32, #tpu.memory_space<vmem>>, vector<1x16xf32>,
        %get3A_361 = vector.shape_cast %get3A_360 : vector<1x16xf32> to vector<16xf32>
        %get3A_362 = arith.index_cast %scan3A_301 : i32 to index
        %get3A_363 = arith.constant 64 : index
        %get3A_364 = tpu.vector_load %arg14[%get3A_362, %get3A_363] {strides = array<i32>} : memref<80x128xf32, #tpu.memory_space<vmem>>, vector<1x16xf32>,
        %get3A_365 = vector.shape_cast %get3A_364 : vector<1x16xf32> to vector<16xf32>
        %mul3A_366 = arith.mulf %get3A_361, %get3A_365 : vector<16xf32>
        %swap3A_367 = arith.index_cast %scan3A_301 : i32 to index
        %swap3A_368 = arith.constant 64 : index
        %swap3A_369 = tpu.vector_load %arg12[%swap3A_367, %swap3A_368] {strides = array<i32>} : memref<80x128xf32, #tpu.memory_space<vmem>>, vector<1x16xf32>,
        %swap3A_370 = vector.shape_cast %swap3A_369 : vector<1x16xf32> to vector<16xf32>
        %swap3A_371 = vector.shape_cast %mul3A_366 : vector<16xf32> to vector<1x16xf32>
        tpu.vector_store %arg12[%swap3A_367, %swap3A_368], %swap3A_371 {strides = array<i32>} : memref<80x128xf32, #tpu.memory_space<vmem>>, vector<1x16xf32>,
        %get3A_372 = arith.index_cast %scan3A_301 : i32 to index
        %get3A_373 = arith.constant 80 : index
        %get3A_374 = tpu.vector_load %arg12[%get3A_372, %get3A_373] {strides = array<i32>} : memref<80x128xf32, #tpu.memory_space<vmem>>, vector<1x16xf32>,
        %get3A_375 = vector.shape_cast %get3A_374 : vector<1x16xf32> to vector<16xf32>
        %get3A_376 = arith.index_cast %scan3A_301 : i32 to index
        %get3A_377 = arith.constant 80 : index
        %get3A_378 = tpu.vector_load %arg14[%get3A_376, %get3A_377] {strides = array<i32>} : memref<80x128xf32, #tpu.memory_space<vmem>>, vector<1x16xf32>,
        %get3A_379 = vector.shape_cast %get3A_378 : vector<1x16xf32> to vector<16xf32>
        %mul3A_380 = arith.mulf %get3A_375, %get3A_379 : vector<16xf32>
        %swap3A_381 = arith.index_cast %scan3A_301 : i32 to index
        %swap3A_382 = arith.constant 80 : index
        %swap3A_383 = tpu.vector_load %arg12[%swap3A_381, %swap3A_382] {strides = array<i32>} : memref<80x128xf32, #tpu.memory_space<vmem>>, vector<1x16xf32>,
        %swap3A_384 = vector.shape_cast %swap3A_383 : vector<1x16xf32> to vector<16xf32>
        %swap3A_385 = vector.shape_cast %mul3A_380 : vector<16xf32> to vector<1x16xf32>
        tpu.vector_store %arg12[%swap3A_381, %swap3A_382], %swap3A_385 {strides = array<i32>} : memref<80x128xf32, #tpu.memory_space<vmem>>, vector<1x16xf32>,
        %get3A_386 = arith.index_cast %scan3A_301 : i32 to index
        %get3A_387 = arith.constant 96 : index
        %get3A_388 = tpu.vector_load %arg12[%get3A_386, %get3A_387] {strides = array<i32>} : memref<80x128xf32, #tpu.memory_space<vmem>>, vector<1x16xf32>,
        %get3A_389 = vector.shape_cast %get3A_388 : vector<1x16xf32> to vector<16xf32>
        %get3A_390 = arith.index_cast %scan3A_301 : i32 to index
        %get3A_391 = arith.constant 96 : index
        %get3A_392 = tpu.vector_load %arg14[%get3A_390, %get3A_391] {strides = array<i32>} : memref<80x128xf32, #tpu.memory_space<vmem>>, vector<1x16xf32>,
        %get3A_393 = vector.shape_cast %get3A_392 : vector<1x16xf32> to vector<16xf32>
        %mul3A_394 = arith.mulf %get3A_389, %get3A_393 : vector<16xf32>
        %swap3A_395 = arith.index_cast %scan3A_301 : i32 to index
        %swap3A_396 = arith.constant 96 : index
        %swap3A_397 = tpu.vector_load %arg12[%swap3A_395, %swap3A_396] {strides = array<i32>} : memref<80x128xf32, #tpu.memory_space<vmem>>, vector<1x16xf32>,
        %swap3A_398 = vector.shape_cast %swap3A_397 : vector<1x16xf32> to vector<16xf32>
        %swap3A_399 = vector.shape_cast %mul3A_394 : vector<16xf32> to vector<1x16xf32>
        tpu.vector_store %arg12[%swap3A_395, %swap3A_396], %swap3A_399 {strides = array<i32>} : memref<80x128xf32, #tpu.memory_space<vmem>>, vector<1x16xf32>,
        %get3A_400 = arith.index_cast %scan3A_301 : i32 to index
        %get3A_401 = arith.constant 112 : index
        %get3A_402 = tpu.vector_load %arg12[%get3A_400, %get3A_401] {strides = array<i32>} : memref<80x128xf32, #tpu.memory_space<vmem>>, vector<1x16xf32>,
        %get3A_403 = vector.shape_cast %get3A_402 : vector<1x16xf32> to vector<16xf32>
        %get3A_404 = arith.index_cast %scan3A_301 : i32 to index
        %get3A_405 = arith.constant 112 : index
        %get3A_406 = tpu.vector_load %arg14[%get3A_404, %get3A_405] {strides = array<i32>} : memref<80x128xf32, #tpu.memory_space<vmem>>, vector<1x16xf32>,
        %get3A_407 = vector.shape_cast %get3A_406 : vector<1x16xf32> to vector<16xf32>
        %mul3A_408 = arith.mulf %get3A_403, %get3A_407 : vector<16xf32>
        %swap3A_409 = arith.index_cast %scan3A_301 : i32 to index
        %swap3A_410 = arith.constant 112 : index
        %swap3A_411 = tpu.vector_load %arg12[%swap3A_409, %swap3A_410] {strides = array<i32>} : memref<80x128xf32, #tpu.memory_space<vmem>>, vector<1x16xf32>,
        %swap3A_412 = vector.shape_cast %swap3A_411 : vector<1x16xf32> to vector<16xf32>
        %swap3A_413 = vector.shape_cast %mul3A_408 : vector<16xf32> to vector<1x16xf32>
        tpu.vector_store %arg12[%swap3A_409, %swap3A_410], %swap3A_413 {strides = array<i32>} : memref<80x128xf32, #tpu.memory_space<vmem>>, vector<1x16xf32>,
      }
      %scan3A_181 = arith.constant 80 : i32
      "tpu.region"() ({
        %run_scoped3A = tpu.sem_alloc : memref<!tpu.dma_semaphore, #tpu.memory_space<semaphore_mem>>
        %dma_start3A_189 = arith.constant 0 : i32
        %dma_start3A_190 = arith.constant 0 : i32
        %dma_start3A_191 = tpu.memref_slice %arg15[%dma_start3A_189, %dma_start3A_190] : memref<10240x128xf32, #tpu.memory_space<vmem_shared>> -> memref<10240x128xf32, #tpu.memory_space<vmem_shared>>
        tpu.enqueue_indirect_dma source(%arg12 : memref<80x128xf32, #tpu.memory_space<vmem>>) target(%dma_start3A_191 : memref<10240x128xf32, #tpu.memory_space<vmem_shared>>) offsets(%arg10 : memref<80xi32, #tpu.memory_space<vmem>>) semaphore(%run_scoped3A : memref<!tpu.dma_semaphore, #tpu.memory_space<semaphore_mem>>) {add = true}
        %dma_wait3A_192 = arith.constant 0 : i32
        %dma_wait3A_193 = arith.constant 0 : i32
        %dma_wait3A_194 = tpu.memref_slice %arg15[%dma_wait3A_192, %dma_wait3A_193] : memref<10240x128xf32, #tpu.memory_space<vmem_shared>> -> memref<10240x128xf32, #tpu.memory_space<vmem_shared>>
        tpu.wait_indirect_dma semaphore(%run_scoped3A : memref<!tpu.dma_semaphore, #tpu.memory_space<semaphore_mem>>) src(%arg12 : memref<80x128xf32, #tpu.memory_space<vmem>>) dst(%dma_wait3A_194 : memref<10240x128xf32, #tpu.memory_space<vmem_shared>>)
        tpu.yield
      }) : () -> ()
      %add3A_182 = arith.constant 2 : i32
      %add3A_183 = arith.addi %add3A_155, %add3A_182 : i32
      %lt3A_184 = arith.constant 250 : i32
      %lt3A_185 = arith.cmpi slt, %add3A_183, %lt3A_184 : i32
      %convert_element_type3A_186 = arith.extui %lt3A_185 : i1 to i32
      %cond3A_187 = arith.constant 0 : i32
      %cond3A_188 = arith.cmpi ne, %convert_element_type3A_186, %cond3A_187 : i32
      scf.if %cond3A_188 {
        %add3A_189 = arith.constant 2 : i32
        %add3A_190 = arith.addi %add3A_155, %add3A_189 : i32
        %mul3A_191 = arith.constant 80 : i32
        %mul3A_192 = arith.muli %add3A_190, %mul3A_191 : i32
        %add3A_193 = arith.addi %mul3A_36, %mul3A_192 : i32
        %dma_start3A_194 = tpu.memref_slice %arg4[%add3A_193] : memref<320000xi32, #tpu.memory_space<hbm>> -> memref<80xi32, #tpu.memory_space<hbm>>
        %dma_start3A_195 = tpu.memref_slice %arg4[%add3A_193] : memref<320000xi32, #tpu.memory_space<hbm>> -> memref<80xi32, #tpu.memory_space<hbm>>
        tpu.enqueue_dma source(%dma_start3A_195 : memref<80xi32, #tpu.memory_space<hbm>>) target(%arg8 : memref<80xi32, #tpu.memory_space<vmem>>) target_semaphore(%arg21 : memref<!tpu.dma_semaphore, #tpu.memory_space<semaphore_mem>>)
        %mul3A_196 = arith.constant 80 : i32
        %mul3A_197 = arith.muli %add3A_190, %mul3A_196 : i32
        %add3A_198 = arith.addi %mul3A_36, %mul3A_197 : i32
        %dma_start3A_199 = tpu.memref_slice %arg5[%add3A_198] : memref<320000xi32, #tpu.memory_space<hbm>> -> memref<80xi32, #tpu.memory_space<hbm>>
        %dma_start3A_200 = tpu.memref_slice %arg5[%add3A_198] : memref<320000xi32, #tpu.memory_space<hbm>> -> memref<80xi32, #tpu.memory_space<hbm>>
        tpu.enqueue_dma source(%dma_start3A_200 : memref<80xi32, #tpu.memory_space<hbm>>) target(%arg10 : memref<80xi32, #tpu.memory_space<vmem>>) target_semaphore(%arg21 : memref<!tpu.dma_semaphore, #tpu.memory_space<semaphore_mem>>)
      } else {
      }
    }
    %scan3A_76 = arith.constant 125 : i32
    %barrier3A_77 = arith.constant 0 : index
    tpu.barrier barrier_id(%barrier3A_77)
    %add3A_78 = arith.constant 0 : i32
    %add3A_79 = arith.addi %arg1, %add3A_78 : i32
    %lt3A = arith.constant 78 : i32
    %lt3A_80 = arith.cmpi slt, %add3A_79, %lt3A : i32
    %convert_element_type3A = arith.extui %lt3A_80 : i1 to i32
    %cond3A = arith.constant 0 : i32
    %cond3A_81 = arith.cmpi ne, %convert_element_type3A, %cond3A : i32
    scf.if %cond3A_81 {
      %mul3A_114 = arith.constant 128 : i32
      %mul3A_115 = arith.muli %add3A_79, %mul3A_114 : i32
      %mul3A_116 = arith.constant 10000 : i32
      %mul3A_117 = arith.muli %arg0, %mul3A_116 : i32
      %add3A_118 = arith.addi %mul3A_117, %mul3A_115 : i32
      "tpu.region"() ({
        %run_scoped3A = tpu.sem_alloc : memref<!tpu.dma_semaphore, #tpu.memory_space<semaphore_mem>>
        %dma_start3A_119 = arith.constant 0 : i32
        %dma_start3A_120 = tpu.memref_slice %arg6[%add3A_118, %dma_start3A_119] : memref<20000x128xf32, #tpu.memory_space<hbm>> -> memref<128x128xf32, #tpu.memory_space<hbm>>
        %dma_start3A_121 = arith.constant 0 : i32
        %dma_start3A_122 = tpu.memref_slice %arg15[%mul3A_115, %dma_start3A_121] : memref<10240x128xf32, #tpu.memory_space<vmem_shared>> -> memref<128x128xf32, #tpu.memory_space<vmem_shared>>
        tpu.enqueue_dma source(%dma_start3A_122 : memref<128x128xf32, #tpu.memory_space<vmem_shared>>) target(%dma_start3A_120 : memref<128x128xf32, #tpu.memory_space<hbm>>) target_semaphore(%run_scoped3A : memref<!tpu.dma_semaphore, #tpu.memory_space<semaphore_mem>>)
        %dma_wait3A_123 = arith.constant 0 : i32
        %dma_wait3A_124 = tpu.memref_slice %arg6[%add3A_118, %dma_wait3A_123] : memref<20000x128xf32, #tpu.memory_space<hbm>> -> memref<128x128xf32, #tpu.memory_space<hbm>>
        %dma_wait3A_125 = arith.constant 0 : i32
        %dma_wait3A_126 = tpu.memref_slice %arg15[%mul3A_115, %dma_wait3A_125] : memref<10240x128xf32, #tpu.memory_space<vmem_shared>> -> memref<128x128xf32, #tpu.memory_space<vmem_shared>>
        tpu.wait_dma2 semaphore(%run_scoped3A : memref<!tpu.dma_semaphore, #tpu.memory_space<semaphore_mem>>) src(%dma_wait3A_126 : memref<128x128xf32, #tpu.memory_space<vmem_shared>>) dst(%dma_wait3A_124 : memref<128x128xf32, #tpu.memory_space<hbm>>)
        tpu.yield
      }) : () -> ()
    } else {
    }
    %add3A_82 = arith.constant 16 : i32
    %add3A_83 = arith.addi %arg1, %add3A_82 : i32
    %lt3A_84 = arith.constant 78 : i32
    %lt3A_85 = arith.cmpi slt, %add3A_83, %lt3A_84 : i32
    %convert_element_type3A_86 = arith.extui %lt3A_85 : i1 to i32
    %cond3A_87 = arith.constant 0 : i32
    %cond3A_88 = arith.cmpi ne, %convert_element_type3A_86, %cond3A_87 : i32
    scf.if %cond3A_88 {
      %mul3A_114 = arith.constant 128 : i32
      %mul3A_115 = arith.muli %add3A_83, %mul3A_114 : i32
      %mul3A_116 = arith.constant 10000 : i32
      %mul3A_117 = arith.muli %arg0, %mul3A_116 : i32
      %add3A_118 = arith.addi %mul3A_117, %mul3A_115 : i32
      "tpu.region"() ({
        %run_scoped3A = tpu.sem_alloc : memref<!tpu.dma_semaphore, #tpu.memory_space<semaphore_mem>>
        %dma_start3A_119 = arith.constant 0 : i32
        %dma_start3A_120 = tpu.memref_slice %arg6[%add3A_118, %dma_start3A_119] : memref<20000x128xf32, #tpu.memory_space<hbm>> -> memref<128x128xf32, #tpu.memory_space<hbm>>
        %dma_start3A_121 = arith.constant 0 : i32
        %dma_start3A_122 = tpu.memref_slice %arg15[%mul3A_115, %dma_start3A_121] : memref<10240x128xf32, #tpu.memory_space<vmem_shared>> -> memref<128x128xf32, #tpu.memory_space<vmem_shared>>
        tpu.enqueue_dma source(%dma_start3A_122 : memref<128x128xf32, #tpu.memory_space<vmem_shared>>) target(%dma_start3A_120 : memref<128x128xf32, #tpu.memory_space<hbm>>) target_semaphore(%run_scoped3A : memref<!tpu.dma_semaphore, #tpu.memory_space<semaphore_mem>>)
        %dma_wait3A_123 = arith.constant 0 : i32
        %dma_wait3A_124 = tpu.memref_slice %arg6[%add3A_118, %dma_wait3A_123] : memref<20000x128xf32, #tpu.memory_space<hbm>> -> memref<128x128xf32, #tpu.memory_space<hbm>>
        %dma_wait3A_125 = arith.constant 0 : i32
        %dma_wait3A_126 = tpu.memref_slice %arg15[%mul3A_115, %dma_wait3A_125] : memref<10240x128xf32, #tpu.memory_space<vmem_shared>> -> memref<128x128xf32, #tpu.memory_space<vmem_shared>>
        tpu.wait_dma2 semaphore(%run_scoped3A : memref<!tpu.dma_semaphore, #tpu.memory_space<semaphore_mem>>) src(%dma_wait3A_126 : memref<128x128xf32, #tpu.memory_space<vmem_shared>>) dst(%dma_wait3A_124 : memref<128x128xf32, #tpu.memory_space<hbm>>)
        tpu.yield
      }) : () -> ()
    } else {
    }
    %add3A_89 = arith.constant 32 : i32
    %add3A_90 = arith.addi %arg1, %add3A_89 : i32
    %lt3A_91 = arith.constant 78 : i32
    %lt3A_92 = arith.cmpi slt, %add3A_90, %lt3A_91 : i32
    %convert_element_type3A_93 = arith.extui %lt3A_92 : i1 to i32
    %cond3A_94 = arith.constant 0 : i32
    %cond3A_95 = arith.cmpi ne, %convert_element_type3A_93, %cond3A_94 : i32
    scf.if %cond3A_95 {
      %mul3A_114 = arith.constant 128 : i32
      %mul3A_115 = arith.muli %add3A_90, %mul3A_114 : i32
      %mul3A_116 = arith.constant 10000 : i32
      %mul3A_117 = arith.muli %arg0, %mul3A_116 : i32
      %add3A_118 = arith.addi %mul3A_117, %mul3A_115 : i32
      "tpu.region"() ({
        %run_scoped3A = tpu.sem_alloc : memref<!tpu.dma_semaphore, #tpu.memory_space<semaphore_mem>>
        %dma_start3A_119 = arith.constant 0 : i32
        %dma_start3A_120 = tpu.memref_slice %arg6[%add3A_118, %dma_start3A_119] : memref<20000x128xf32, #tpu.memory_space<hbm>> -> memref<128x128xf32, #tpu.memory_space<hbm>>
        %dma_start3A_121 = arith.constant 0 : i32
        %dma_start3A_122 = tpu.memref_slice %arg15[%mul3A_115, %dma_start3A_121] : memref<10240x128xf32, #tpu.memory_space<vmem_shared>> -> memref<128x128xf32, #tpu.memory_space<vmem_shared>>
        tpu.enqueue_dma source(%dma_start3A_122 : memref<128x128xf32, #tpu.memory_space<vmem_shared>>) target(%dma_start3A_120 : memref<128x128xf32, #tpu.memory_space<hbm>>) target_semaphore(%run_scoped3A : memref<!tpu.dma_semaphore, #tpu.memory_space<semaphore_mem>>)
        %dma_wait3A_123 = arith.constant 0 : i32
        %dma_wait3A_124 = tpu.memref_slice %arg6[%add3A_118, %dma_wait3A_123] : memref<20000x128xf32, #tpu.memory_space<hbm>> -> memref<128x128xf32, #tpu.memory_space<hbm>>
        %dma_wait3A_125 = arith.constant 0 : i32
        %dma_wait3A_126 = tpu.memref_slice %arg15[%mul3A_115, %dma_wait3A_125] : memref<10240x128xf32, #tpu.memory_space<vmem_shared>> -> memref<128x128xf32, #tpu.memory_space<vmem_shared>>
        tpu.wait_dma2 semaphore(%run_scoped3A : memref<!tpu.dma_semaphore, #tpu.memory_space<semaphore_mem>>) src(%dma_wait3A_126 : memref<128x128xf32, #tpu.memory_space<vmem_shared>>) dst(%dma_wait3A_124 : memref<128x128xf32, #tpu.memory_space<hbm>>)
        tpu.yield
      }) : () -> ()
    } else {
    }
    %add3A_96 = arith.constant 48 : i32
    %add3A_97 = arith.addi %arg1, %add3A_96 : i32
    %lt3A_98 = arith.constant 78 : i32
    %lt3A_99 = arith.cmpi slt, %add3A_97, %lt3A_98 : i32
    %convert_element_type3A_100 = arith.extui %lt3A_99 : i1 to i32
    %cond3A_101 = arith.constant 0 : i32
    %cond3A_102 = arith.cmpi ne, %convert_element_type3A_100, %cond3A_101 : i32
    scf.if %cond3A_102 {
      %mul3A_114 = arith.constant 128 : i32
      %mul3A_115 = arith.muli %add3A_97, %mul3A_114 : i32
      %mul3A_116 = arith.constant 10000 : i32
      %mul3A_117 = arith.muli %arg0, %mul3A_116 : i32
      %add3A_118 = arith.addi %mul3A_117, %mul3A_115 : i32
      "tpu.region"() ({
        %run_scoped3A = tpu.sem_alloc : memref<!tpu.dma_semaphore, #tpu.memory_space<semaphore_mem>>
        %dma_start3A_119 = arith.constant 0 : i32
        %dma_start3A_120 = tpu.memref_slice %arg6[%add3A_118, %dma_start3A_119] : memref<20000x128xf32, #tpu.memory_space<hbm>> -> memref<128x128xf32, #tpu.memory_space<hbm>>
        %dma_start3A_121 = arith.constant 0 : i32
        %dma_start3A_122 = tpu.memref_slice %arg15[%mul3A_115, %dma_start3A_121] : memref<10240x128xf32, #tpu.memory_space<vmem_shared>> -> memref<128x128xf32, #tpu.memory_space<vmem_shared>>
        tpu.enqueue_dma source(%dma_start3A_122 : memref<128x128xf32, #tpu.memory_space<vmem_shared>>) target(%dma_start3A_120 : memref<128x128xf32, #tpu.memory_space<hbm>>) target_semaphore(%run_scoped3A : memref<!tpu.dma_semaphore, #tpu.memory_space<semaphore_mem>>)
        %dma_wait3A_123 = arith.constant 0 : i32
        %dma_wait3A_124 = tpu.memref_slice %arg6[%add3A_118, %dma_wait3A_123] : memref<20000x128xf32, #tpu.memory_space<hbm>> -> memref<128x128xf32, #tpu.memory_space<hbm>>
        %dma_wait3A_125 = arith.constant 0 : i32
        %dma_wait3A_126 = tpu.memref_slice %arg15[%mul3A_115, %dma_wait3A_125] : memref<10240x128xf32, #tpu.memory_space<vmem_shared>> -> memref<128x128xf32, #tpu.memory_space<vmem_shared>>
        tpu.wait_dma2 semaphore(%run_scoped3A : memref<!tpu.dma_semaphore, #tpu.memory_space<semaphore_mem>>) src(%dma_wait3A_126 : memref<128x128xf32, #tpu.memory_space<vmem_shared>>) dst(%dma_wait3A_124 : memref<128x128xf32, #tpu.memory_space<hbm>>)
        tpu.yield
      }) : () -> ()
    } else {
    }
    %add3A_103 = arith.constant 64 : i32
    %add3A_104 = arith.addi %arg1, %add3A_103 : i32
    %lt3A_105 = arith.constant 78 : i32
    %lt3A_106 = arith.cmpi slt, %add3A_104, %lt3A_105 : i32
    %convert_element_type3A_107 = arith.extui %lt3A_106 : i1 to i32
    %cond3A_108 = arith.constant 0 : i32
    %cond3A_109 = arith.cmpi ne, %convert_element_type3A_107, %cond3A_108 : i32
    scf.if %cond3A_109 {
      %mul3A_114 = arith.constant 128 : i32
      %mul3A_115 = arith.muli %add3A_104, %mul3A_114 : i32
      %mul3A_116 = arith.constant 10000 : i32
      %mul3A_117 = arith.muli %arg0, %mul3A_116 : i32
      %add3A_118 = arith.addi %mul3A_117, %mul3A_115 : i32
      "tpu.region"() ({
        %run_scoped3A = tpu.sem_alloc : memref<!tpu.dma_semaphore, #tpu.memory_space<semaphore_mem>>
        %dma_start3A_119 = arith.constant 0 : i32
        %dma_start3A_120 = tpu.memref_slice %arg6[%add3A_118, %dma_start3A_119] : memref<20000x128xf32, #tpu.memory_space<hbm>> -> memref<128x128xf32, #tpu.memory_space<hbm>>
        %dma_start3A_121 = arith.constant 0 : i32
        %dma_start3A_122 = tpu.memref_slice %arg15[%mul3A_115, %dma_start3A_121] : memref<10240x128xf32, #tpu.memory_space<vmem_shared>> -> memref<128x128xf32, #tpu.memory_space<vmem_shared>>
        tpu.enqueue_dma source(%dma_start3A_122 : memref<128x128xf32, #tpu.memory_space<vmem_shared>>) target(%dma_start3A_120 : memref<128x128xf32, #tpu.memory_space<hbm>>) target_semaphore(%run_scoped3A : memref<!tpu.dma_semaphore, #tpu.memory_space<semaphore_mem>>)
        %dma_wait3A_123 = arith.constant 0 : i32
        %dma_wait3A_124 = tpu.memref_slice %arg6[%add3A_118, %dma_wait3A_123] : memref<20000x128xf32, #tpu.memory_space<hbm>> -> memref<128x128xf32, #tpu.memory_space<hbm>>
        %dma_wait3A_125 = arith.constant 0 : i32
        %dma_wait3A_126 = tpu.memref_slice %arg15[%mul3A_115, %dma_wait3A_125] : memref<10240x128xf32, #tpu.memory_space<vmem_shared>> -> memref<128x128xf32, #tpu.memory_space<vmem_shared>>
        tpu.wait_dma2 semaphore(%run_scoped3A : memref<!tpu.dma_semaphore, #tpu.memory_space<semaphore_mem>>) src(%dma_wait3A_126 : memref<128x128xf32, #tpu.memory_space<vmem_shared>>) dst(%dma_wait3A_124 : memref<128x128xf32, #tpu.memory_space<hbm>>)
        tpu.yield
      }) : () -> ()
    } else {
    }
    %eq3A = arith.constant 14 : i32
    %eq3A_110 = arith.cmpi eq, %arg1, %eq3A : i32
    %convert_element_type3A_111 = arith.extui %eq3A_110 : i1 to i32
    %cond3A_112 = arith.constant 0 : i32
    %cond3A_113 = arith.cmpi ne, %convert_element_type3A_111, %cond3A_112 : i32
    scf.if %cond3A_113 {
      %mul3A_114 = arith.constant 10000 : i32
      %mul3A_115 = arith.muli %arg0, %mul3A_114 : i32
      %add3A_116 = arith.constant 9984 : i32
      %add3A_117 = arith.addi %mul3A_115, %add3A_116 : i32
      "tpu.region"() ({
        %run_scoped3A = tpu.sem_alloc : memref<!tpu.dma_semaphore, #tpu.memory_space<semaphore_mem>>
        %dma_start3A_118 = arith.constant 0 : i32
        %dma_start3A_119 = tpu.memref_slice %arg6[%add3A_117, %dma_start3A_118] : memref<20000x128xf32, #tpu.memory_space<hbm>> -> memref<16x128xf32, #tpu.memory_space<hbm>>
        %dma_start3A_120 = arith.constant 9984 : i32
        %dma_start3A_121 = arith.constant 0 : i32
        %dma_start3A_122 = tpu.memref_slice %arg15[%dma_start3A_120, %dma_start3A_121] : memref<10240x128xf32, #tpu.memory_space<vmem_shared>> -> memref<16x128xf32, #tpu.memory_space<vmem_shared>>
        tpu.enqueue_dma source(%dma_start3A_122 : memref<16x128xf32, #tpu.memory_space<vmem_shared>>) target(%dma_start3A_119 : memref<16x128xf32, #tpu.memory_space<hbm>>) target_semaphore(%run_scoped3A : memref<!tpu.dma_semaphore, #tpu.memory_space<semaphore_mem>>)
        %dma_wait3A_123 = arith.constant 0 : i32
        %dma_wait3A_124 = tpu.memref_slice %arg6[%add3A_117, %dma_wait3A_123] : memref<20000x128xf32, #tpu.memory_space<hbm>> -> memref<16x128xf32, #tpu.memory_space<hbm>>
        %dma_wait3A_125 = arith.constant 9984 : i32
        %dma_wait3A_126 = arith.constant 0 : i32
        %dma_wait3A_127 = tpu.memref_slice %arg15[%dma_wait3A_125, %dma_wait3A_126] : memref<10240x128xf32, #tpu.memory_space<vmem_shared>> -> memref<16x128xf32, #tpu.memory_space<vmem_shared>>
        tpu.wait_dma2 semaphore(%run_scoped3A : memref<!tpu.dma_semaphore, #tpu.memory_space<semaphore_mem>>) src(%dma_wait3A_127 : memref<16x128xf32, #tpu.memory_space<vmem_shared>>) dst(%dma_wait3A_124 : memref<16x128xf32, #tpu.memory_space<hbm>>)
        tpu.yield
      }) : () -> ()
    } else {
    }
    return
  }
}

module attributes {stable_mosaic.version = 14 : i64} {
  func.func @_edge_coeff_body(%arg0: i32, %arg1: memref<2000x8xf32, #tpu.memory_space<vmem>>, %arg2: memref<2000x16xf32, #tpu.memory_space<vmem>>, %arg3: memref<8x8xf32, #tpu.memory_space<vmem>>, %arg4: memref<8x128xf32, #tpu.memory_space<vmem>>, %arg5: memref<2x16x128xf32, #tpu.memory_space<vmem>>, %arg6: memref<2x2000x128xf32, #tpu.memory_space<vmem>>) attributes {dimension_semantics = [#tpu.dimension_semantics<arbitrary>], iteration_bounds = array<i64: 160>, scalar_prefetch = 0 : i64, scratch_operands = 0 : i64, tpu.core_type = #tpu.core_type<tc>, window_params = [{transform_indices = @transform_0, window_bounds = array<i64: 2000, 8>}, {transform_indices = @transform_1, window_bounds = array<i64: 2000, 16>}, {pipeline_mode = #tpu.pipeline_mode<synchronous>, transform_indices = @transform_2, window_bounds = array<i64: 8, 8>}, {pipeline_mode = #tpu.pipeline_mode<synchronous>, transform_indices = @transform_3, window_bounds = array<i64: 8, 128>}, {pipeline_mode = #tpu.pipeline_mode<synchronous>, transform_indices = @transform_4, window_bounds = array<i64: 2, 16, 128>}, {transform_indices = @transform_5, window_bounds = array<i64: 2, 2000, 128>}]} {
    %get3A = arith.constant 0 : index
    %get3A_0 = arith.constant 0 : index
    %get3A_1 = vector.load %arg1[%get3A, %get3A_0] : memref<2000x8xf32, #tpu.memory_space<vmem>>, vector<2000x8xf32>
    %get3A_2 = arith.constant 0 : index
    %get3A_3 = arith.constant 0 : index
    %get3A_4 = vector.load %arg3[%get3A_2, %get3A_3] : memref<8x8xf32, #tpu.memory_space<vmem>>, vector<8x8xf32>
    %dot_general3A = arith.constant dense<0.000000e+00> : vector<2000x8xf32>
    %dot_general3A_5 = tpu.matmul %get3A_1, %get3A_4, %dot_general3A {dimension_numbers = #tpu.dot_dimension_numbers<[1], [0], [0], [1], [0, 0, 1, 1], [], []>, transpose_lhs_hint = false} : vector<2000x8xf32>, vector<8x8xf32>, vector<2000x8xf32> -> vector<2000x8xf32>
    %logistic3A = arith.negf %dot_general3A_5 : vector<2000x8xf32>
    %logistic3A_6 = math.exp %logistic3A : vector<2000x8xf32>
    %logistic3A_7 = arith.constant 1.000000e+00 : f32
    %logistic3A_8 = vector.broadcast %logistic3A_7 : f32 to vector<2000x8xf32>
    %logistic3A_9 = arith.addf %logistic3A_8, %logistic3A_6 : vector<2000x8xf32>
    %logistic3A_10 = arith.divf %logistic3A_8, %logistic3A_9 : vector<2000x8xf32>
    %mul3A = arith.mulf %dot_general3A_5, %logistic3A_10 : vector<2000x8xf32>
    %get3A_11 = arith.constant 0 : index
    %get3A_12 = arith.constant 0 : index
    %get3A_13 = vector.load %arg4[%get3A_11, %get3A_12] : memref<8x128xf32, #tpu.memory_space<vmem>>, vector<8x128xf32>
    %dot_general3A_14 = arith.constant dense<0.000000e+00> : vector<2000x128xf32>
    %dot_general3A_15 = tpu.matmul %mul3A, %get3A_13, %dot_general3A_14 {dimension_numbers = #tpu.dot_dimension_numbers<[1], [0], [0], [1], [0, 0, 1, 1], [], []>, transpose_lhs_hint = false} : vector<2000x8xf32>, vector<8x128xf32>, vector<2000x128xf32> -> vector<2000x128xf32>
    %get3A_16 = arith.constant 0 : index
    %get3A_17 = arith.constant 0 : index
    %get3A_18 = vector.load %arg2[%get3A_16, %get3A_17] : memref<2000x16xf32, #tpu.memory_space<vmem>>, vector<2000x16xf32>
    %get3A_19 = arith.constant 0 : index
    %get3A_20 = arith.constant 0 : index
    %get3A_21 = arith.constant 0 : index
    %get3A_22 = vector.load %arg5[%get3A_19, %get3A_20, %get3A_21] : memref<2x16x128xf32, #tpu.memory_space<vmem>>, vector<1x16x128xf32>
    %get3A_23 = vector.shape_cast %get3A_22 : vector<1x16x128xf32> to vector<16x128xf32>
    %dot_general3A_24 = arith.constant dense<0.000000e+00> : vector<2000x128xf32>
    %dot_general3A_25 = tpu.matmul %get3A_18, %get3A_23, %dot_general3A_24 {dimension_numbers = #tpu.dot_dimension_numbers<[1], [0], [0], [1], [0, 0, 1, 1], [], []>, transpose_lhs_hint = false} : vector<2000x16xf32>, vector<16x128xf32>, vector<2000x128xf32> -> vector<2000x128xf32>
    %mul3A_26 = arith.mulf %dot_general3A_15, %dot_general3A_25 : vector<2000x128xf32>
    %mul3A_27 = arith.constant 3.125000e-02 : f32
    %mul3A_28 = vector.broadcast %mul3A_27 : f32 to vector<2000x128xf32>
    %mul3A_29 = arith.mulf %mul3A_26, %mul3A_28 : vector<2000x128xf32>
    %swap3A = arith.constant 0 : index
    %swap3A_30 = arith.constant 0 : index
    %swap3A_31 = arith.constant 0 : index
    %swap3A_32 = vector.load %arg6[%swap3A, %swap3A_30, %swap3A_31] : memref<2x2000x128xf32, #tpu.memory_space<vmem>>, vector<1x2000x128xf32>
    %swap3A_33 = vector.shape_cast %swap3A_32 : vector<1x2000x128xf32> to vector<2000x128xf32>
    %swap3A_34 = vector.shape_cast %mul3A_29 : vector<2000x128xf32> to vector<1x2000x128xf32>
    tpu.vector_store %arg6[%swap3A, %swap3A_30, %swap3A_31], %swap3A_34 {strides = array<i32>} : memref<2x2000x128xf32, #tpu.memory_space<vmem>>, vector<1x2000x128xf32>,
    %get3A_35 = arith.constant 1 : index
    %get3A_36 = arith.constant 0 : index
    %get3A_37 = arith.constant 0 : index
    %get3A_38 = vector.load %arg5[%get3A_35, %get3A_36, %get3A_37] : memref<2x16x128xf32, #tpu.memory_space<vmem>>, vector<1x16x128xf32>
    %get3A_39 = vector.shape_cast %get3A_38 : vector<1x16x128xf32> to vector<16x128xf32>
    %dot_general3A_40 = arith.constant dense<0.000000e+00> : vector<2000x128xf32>
    %dot_general3A_41 = tpu.matmul %get3A_18, %get3A_39, %dot_general3A_40 {dimension_numbers = #tpu.dot_dimension_numbers<[1], [0], [0], [1], [0, 0, 1, 1], [], []>, transpose_lhs_hint = false} : vector<2000x16xf32>, vector<16x128xf32>, vector<2000x128xf32> -> vector<2000x128xf32>
    %mul3A_42 = arith.mulf %dot_general3A_15, %dot_general3A_41 : vector<2000x128xf32>
    %mul3A_43 = arith.constant 3.125000e-02 : f32
    %mul3A_44 = vector.broadcast %mul3A_43 : f32 to vector<2000x128xf32>
    %mul3A_45 = arith.mulf %mul3A_42, %mul3A_44 : vector<2000x128xf32>
    %swap3A_46 = arith.constant 1 : index
    %swap3A_47 = arith.constant 0 : index
    %swap3A_48 = arith.constant 0 : index
    %swap3A_49 = vector.load %arg6[%swap3A_46, %swap3A_47, %swap3A_48] : memref<2x2000x128xf32, #tpu.memory_space<vmem>>, vector<1x2000x128xf32>
    %swap3A_50 = vector.shape_cast %swap3A_49 : vector<1x2000x128xf32> to vector<2000x128xf32>
    %swap3A_51 = vector.shape_cast %mul3A_45 : vector<2000x128xf32> to vector<1x2000x128xf32>
    tpu.vector_store %arg6[%swap3A_46, %swap3A_47, %swap3A_48], %swap3A_51 {strides = array<i32>} : memref<2x2000x128xf32, #tpu.memory_space<vmem>>, vector<1x2000x128xf32>,
    return
  }
  func.func @transform_0(%arg0: i32) -> (i32, i32) {
    %c0_i32 = arith.constant 0 : i32
    %c0_i32_0 = arith.constant 0 : i32
    return %arg0, %c0_i32 : i32, i32
  }
  func.func @transform_1(%arg0: i32) -> (i32, i32) {
    %c0_i32 = arith.constant 0 : i32
    %c0_i32_0 = arith.constant 0 : i32
    return %arg0, %c0_i32 : i32, i32
  }
  func.func @transform_2(%arg0: i32) -> (i32, i32) {
    %c0_i32 = arith.constant 0 : i32
    %c0_i32_0 = arith.constant 0 : i32
    %c0_i32_1 = arith.constant 0 : i32
    return %c0_i32, %c0_i32_0 : i32, i32
  }
  func.func @transform_3(%arg0: i32) -> (i32, i32) {
    %c0_i32 = arith.constant 0 : i32
    %c0_i32_0 = arith.constant 0 : i32
    %c0_i32_1 = arith.constant 0 : i32
    return %c0_i32, %c0_i32_0 : i32, i32
  }
  func.func @transform_4(%arg0: i32) -> (i32, i32, i32) {
    %c0_i32 = arith.constant 0 : i32
    %c0_i32_0 = arith.constant 0 : i32
    %c0_i32_1 = arith.constant 0 : i32
    %c0_i32_2 = arith.constant 0 : i32
    return %c0_i32, %c0_i32_0, %c0_i32_1 : i32, i32, i32
  }
  func.func @transform_5(%arg0: i32) -> (i32, i32, i32) {
    %c0_i32 = arith.constant 0 : i32
    %c0_i32_0 = arith.constant 0 : i32
    %c0_i32_1 = arith.constant 0 : i32
    return %c0_i32, %arg0, %c0_i32_0 : i32, i32, i32
  }
}

module attributes {stable_mosaic.version = 14 : i64} {
  func.func @_x1_body(%arg0: i32, %arg1: memref<1000x128xf32, #tpu.memory_space<vmem>>, %arg2: memref<128x128xf32, #tpu.memory_space<vmem>>, %arg3: memref<1000x128xf32, #tpu.memory_space<vmem>>) attributes {dimension_semantics = [#tpu.dimension_semantics<arbitrary>], iteration_bounds = array<i64: 10>, scalar_prefetch = 0 : i64, scratch_operands = 0 : i64, tpu.core_type = #tpu.core_type<tc>, window_params = [{transform_indices = @transform_0, window_bounds = array<i64: 1000, 128>}, {pipeline_mode = #tpu.pipeline_mode<synchronous>, transform_indices = @transform_1, window_bounds = array<i64: 128, 128>}, {transform_indices = @transform_2, window_bounds = array<i64: 1000, 128>}]} {
    %get3A = arith.constant 0 : index
    %get3A_0 = arith.constant 0 : index
    %get3A_1 = vector.load %arg1[%get3A, %get3A_0] : memref<1000x128xf32, #tpu.memory_space<vmem>>, vector<1000x128xf32>
    %get3A_2 = arith.constant 0 : index
    %get3A_3 = arith.constant 0 : index
    %get3A_4 = vector.load %arg2[%get3A_2, %get3A_3] : memref<128x128xf32, #tpu.memory_space<vmem>>, vector<128x128xf32>
    %dot_general3A = arith.constant dense<0.000000e+00> : vector<1000x128xf32>
    %dot_general3A_5 = tpu.matmul %get3A_1, %get3A_4, %dot_general3A {dimension_numbers = #tpu.dot_dimension_numbers<[1], [0], [0], [1], [0, 0, 1, 1], [], []>, transpose_lhs_hint = false} : vector<1000x128xf32>, vector<128x128xf32>, vector<1000x128xf32> -> vector<1000x128xf32>
    %swap3A = arith.constant 0 : index
    %swap3A_6 = arith.constant 0 : index
    %swap3A_7 = vector.load %arg3[%swap3A, %swap3A_6] : memref<1000x128xf32, #tpu.memory_space<vmem>>, vector<1000x128xf32>
    tpu.vector_store %arg3[%swap3A, %swap3A_6], %dot_general3A_5 {strides = array<i32>} : memref<1000x128xf32, #tpu.memory_space<vmem>>, vector<1000x128xf32>,
    return
  }
  func.func @transform_0(%arg0: i32) -> (i32, i32) {
    %c0_i32 = arith.constant 0 : i32
    %c0_i32_0 = arith.constant 0 : i32
    return %arg0, %c0_i32 : i32, i32
  }
  func.func @transform_1(%arg0: i32) -> (i32, i32) {
    %c0_i32 = arith.constant 0 : i32
    %c0_i32_0 = arith.constant 0 : i32
    %c0_i32_1 = arith.constant 0 : i32
    return %c0_i32, %c0_i32_0 : i32, i32
  }
  func.func @transform_2(%arg0: i32) -> (i32, i32) {
    %c0_i32 = arith.constant 0 : i32
    %c0_i32_0 = arith.constant 0 : i32
    return %arg0, %c0_i32 : i32, i32
  }
}

module attributes {stable_mosaic.version = 14 : i64} {
  func.func @_final_body(%arg0: i32, %arg1: memref<1000x128xf32, #tpu.memory_space<vmem>>, %arg2: memref<1000x16xf32, #tpu.memory_space<vmem>>, %arg3: memref<2x1000x128xf32, #tpu.memory_space<vmem>>, %arg4: memref<2x128x128xf32, #tpu.memory_space<vmem>>, %arg5: memref<2x16x128x128xf32, #tpu.memory_space<vmem>>, %arg6: memref<2x1000x128xf32, #tpu.memory_space<vmem>>) attributes {dimension_semantics = [#tpu.dimension_semantics<arbitrary>], iteration_bounds = array<i64: 10>, scalar_prefetch = 0 : i64, scratch_operands = 0 : i64, tpu.core_type = #tpu.core_type<tc>, window_params = [{transform_indices = @transform_0, window_bounds = array<i64: 1000, 128>}, {transform_indices = @transform_1, window_bounds = array<i64: 1000, 16>}, {transform_indices = @transform_2, window_bounds = array<i64: 2, 1000, 128>}, {pipeline_mode = #tpu.pipeline_mode<synchronous>, transform_indices = @transform_3, window_bounds = array<i64: 2, 128, 128>}, {pipeline_mode = #tpu.pipeline_mode<synchronous>, transform_indices = @transform_4, window_bounds = array<i64: 2, 16, 128, 128>}, {transform_indices = @transform_5, window_bounds = array<i64: 2, 1000, 128>}]} {
    %get3A = arith.constant 0 : index
    %get3A_0 = arith.constant 0 : index
    %get3A_1 = vector.load %arg1[%get3A, %get3A_0] : memref<1000x128xf32, #tpu.memory_space<vmem>>, vector<1000x128xf32>
    %get3A_2 = arith.constant 0 : index
    %get3A_3 = arith.constant 0 : index
    %get3A_4 = vector.load %arg2[%get3A_2, %get3A_3] : memref<1000x16xf32, #tpu.memory_space<vmem>>, vector<1000x16xf32>
    %get3A_5 = arith.constant 0 : index
    %get3A_6 = arith.constant 0 : index
    %get3A_7 = arith.constant 0 : index
    %get3A_8 = vector.load %arg3[%get3A_5, %get3A_6, %get3A_7] : memref<2x1000x128xf32, #tpu.memory_space<vmem>>, vector<1x1000x128xf32>
    %get3A_9 = vector.shape_cast %get3A_8 : vector<1x1000x128xf32> to vector<1000x128xf32>
    %get3A_10 = arith.constant 0 : index
    %get3A_11 = arith.constant 0 : index
    %get3A_12 = arith.constant 0 : index
    %get3A_13 = vector.load %arg4[%get3A_10, %get3A_11, %get3A_12] : memref<2x128x128xf32, #tpu.memory_space<vmem>>, vector<1x128x128xf32>
    %get3A_14 = vector.shape_cast %get3A_13 : vector<1x128x128xf32> to vector<128x128xf32>
    %dot_general3A = arith.constant dense<0.000000e+00> : vector<1000x128xf32>
    %dot_general3A_15 = tpu.matmul %get3A_9, %get3A_14, %dot_general3A {dimension_numbers = #tpu.dot_dimension_numbers<[1], [0], [0], [1], [0, 0, 1, 1], [], []>, transpose_lhs_hint = false} : vector<1000x128xf32>, vector<128x128xf32>, vector<1000x128xf32> -> vector<1000x128xf32>
    %slice3A = vector.extract_strided_slice %get3A_4 {offsets = [0, 0], sizes = [1000, 1], strides = [1, 1]} : vector<1000x16xf32> to vector<1000x1xf32>
    %get3A_16 = arith.constant 0 : index
    %get3A_17 = arith.constant 0 : index
    %get3A_18 = arith.constant 0 : index
    %get3A_19 = arith.constant 0 : index
    %get3A_20 = vector.load %arg5[%get3A_16, %get3A_17, %get3A_18, %get3A_19] : memref<2x16x128x128xf32, #tpu.memory_space<vmem>>, vector<1x1x128x128xf32>
    %get3A_21 = vector.shape_cast %get3A_20 : vector<1x1x128x128xf32> to vector<128x128xf32>
    %dot_general3A_22 = arith.constant dense<0.000000e+00> : vector<1000x128xf32>
    %dot_general3A_23 = tpu.matmul %get3A_1, %get3A_21, %dot_general3A_22 {dimension_numbers = #tpu.dot_dimension_numbers<[1], [0], [0], [1], [0, 0, 1, 1], [], []>, transpose_lhs_hint = false} : vector<1000x128xf32>, vector<128x128xf32>, vector<1000x128xf32> -> vector<1000x128xf32>
    %mul3A = vector.broadcast %slice3A : vector<1000x1xf32> to vector<1000x128xf32>
    %mul3A_24 = arith.mulf %mul3A, %dot_general3A_23 : vector<1000x128xf32>
    %add3A = arith.addf %dot_general3A_15, %mul3A_24 : vector<1000x128xf32>
    %slice3A_25 = vector.extract_strided_slice %get3A_4 {offsets = [0, 1], sizes = [1000, 1], strides = [1, 1]} : vector<1000x16xf32> to vector<1000x1xf32>
    %get3A_26 = arith.constant 0 : index
    %get3A_27 = arith.constant 1 : index
    %get3A_28 = arith.constant 0 : index
    %get3A_29 = arith.constant 0 : index
    %get3A_30 = vector.load %arg5[%get3A_26, %get3A_27, %get3A_28, %get3A_29] : memref<2x16x128x128xf32, #tpu.memory_space<vmem>>, vector<1x1x128x128xf32>
    %get3A_31 = vector.shape_cast %get3A_30 : vector<1x1x128x128xf32> to vector<128x128xf32>
    %dot_general3A_32 = arith.constant dense<0.000000e+00> : vector<1000x128xf32>
    %dot_general3A_33 = tpu.matmul %get3A_1, %get3A_31, %dot_general3A_32 {dimension_numbers = #tpu.dot_dimension_numbers<[1], [0], [0], [1], [0, 0, 1, 1], [], []>, transpose_lhs_hint = false} : vector<1000x128xf32>, vector<128x128xf32>, vector<1000x128xf32> -> vector<1000x128xf32>
    %mul3A_34 = vector.broadcast %slice3A_25 : vector<1000x1xf32> to vector<1000x128xf32>
    %mul3A_35 = arith.mulf %mul3A_34, %dot_general3A_33 : vector<1000x128xf32>
    %add3A_36 = arith.addf %add3A, %mul3A_35 : vector<1000x128xf32>
    %slice3A_37 = vector.extract_strided_slice %get3A_4 {offsets = [0, 2], sizes = [1000, 1], strides = [1, 1]} : vector<1000x16xf32> to vector<1000x1xf32>
    %get3A_38 = arith.constant 0 : index
    %get3A_39 = arith.constant 2 : index
    %get3A_40 = arith.constant 0 : index
    %get3A_41 = arith.constant 0 : index
    %get3A_42 = vector.load %arg5[%get3A_38, %get3A_39, %get3A_40, %get3A_41] : memref<2x16x128x128xf32, #tpu.memory_space<vmem>>, vector<1x1x128x128xf32>
    %get3A_43 = vector.shape_cast %get3A_42 : vector<1x1x128x128xf32> to vector<128x128xf32>
    %dot_general3A_44 = arith.constant dense<0.000000e+00> : vector<1000x128xf32>
    %dot_general3A_45 = tpu.matmul %get3A_1, %get3A_43, %dot_general3A_44 {dimension_numbers = #tpu.dot_dimension_numbers<[1], [0], [0], [1], [0, 0, 1, 1], [], []>, transpose_lhs_hint = false} : vector<1000x128xf32>, vector<128x128xf32>, vector<1000x128xf32> -> vector<1000x128xf32>
    %mul3A_46 = vector.broadcast %slice3A_37 : vector<1000x1xf32> to vector<1000x128xf32>
    %mul3A_47 = arith.mulf %mul3A_46, %dot_general3A_45 : vector<1000x128xf32>
    %add3A_48 = arith.addf %add3A_36, %mul3A_47 : vector<1000x128xf32>
    %slice3A_49 = vector.extract_strided_slice %get3A_4 {offsets = [0, 3], sizes = [1000, 1], strides = [1, 1]} : vector<1000x16xf32> to vector<1000x1xf32>
    %get3A_50 = arith.constant 0 : index
    %get3A_51 = arith.constant 3 : index
    %get3A_52 = arith.constant 0 : index
    %get3A_53 = arith.constant 0 : index
    %get3A_54 = vector.load %arg5[%get3A_50, %get3A_51, %get3A_52, %get3A_53] : memref<2x16x128x128xf32, #tpu.memory_space<vmem>>, vector<1x1x128x128xf32>
    %get3A_55 = vector.shape_cast %get3A_54 : vector<1x1x128x128xf32> to vector<128x128xf32>
    %dot_general3A_56 = arith.constant dense<0.000000e+00> : vector<1000x128xf32>
    %dot_general3A_57 = tpu.matmul %get3A_1, %get3A_55, %dot_general3A_56 {dimension_numbers = #tpu.dot_dimension_numbers<[1], [0], [0], [1], [0, 0, 1, 1], [], []>, transpose_lhs_hint = false} : vector<1000x128xf32>, vector<128x128xf32>, vector<1000x128xf32> -> vector<1000x128xf32>
    %mul3A_58 = vector.broadcast %slice3A_49 : vector<1000x1xf32> to vector<1000x128xf32>
    %mul3A_59 = arith.mulf %mul3A_58, %dot_general3A_57 : vector<1000x128xf32>
    %add3A_60 = arith.addf %add3A_48, %mul3A_59 : vector<1000x128xf32>
    %slice3A_61 = vector.extract_strided_slice %get3A_4 {offsets = [0, 4], sizes = [1000, 1], strides = [1, 1]} : vector<1000x16xf32> to vector<1000x1xf32>
    %get3A_62 = arith.constant 0 : index
    %get3A_63 = arith.constant 4 : index
    %get3A_64 = arith.constant 0 : index
    %get3A_65 = arith.constant 0 : index
    %get3A_66 = vector.load %arg5[%get3A_62, %get3A_63, %get3A_64, %get3A_65] : memref<2x16x128x128xf32, #tpu.memory_space<vmem>>, vector<1x1x128x128xf32>
    %get3A_67 = vector.shape_cast %get3A_66 : vector<1x1x128x128xf32> to vector<128x128xf32>
    %dot_general3A_68 = arith.constant dense<0.000000e+00> : vector<1000x128xf32>
    %dot_general3A_69 = tpu.matmul %get3A_1, %get3A_67, %dot_general3A_68 {dimension_numbers = #tpu.dot_dimension_numbers<[1], [0], [0], [1], [0, 0, 1, 1], [], []>, transpose_lhs_hint = false} : vector<1000x128xf32>, vector<128x128xf32>, vector<1000x128xf32> -> vector<1000x128xf32>
    %mul3A_70 = vector.broadcast %slice3A_61 : vector<1000x1xf32> to vector<1000x128xf32>
    %mul3A_71 = arith.mulf %mul3A_70, %dot_general3A_69 : vector<1000x128xf32>
    %add3A_72 = arith.addf %add3A_60, %mul3A_71 : vector<1000x128xf32>
    %slice3A_73 = vector.extract_strided_slice %get3A_4 {offsets = [0, 5], sizes = [1000, 1], strides = [1, 1]} : vector<1000x16xf32> to vector<1000x1xf32>
    %get3A_74 = arith.constant 0 : index
    %get3A_75 = arith.constant 5 : index
    %get3A_76 = arith.constant 0 : index
    %get3A_77 = arith.constant 0 : index
    %get3A_78 = vector.load %arg5[%get3A_74, %get3A_75, %get3A_76, %get3A_77] : memref<2x16x128x128xf32, #tpu.memory_space<vmem>>, vector<1x1x128x128xf32>
    %get3A_79 = vector.shape_cast %get3A_78 : vector<1x1x128x128xf32> to vector<128x128xf32>
    %dot_general3A_80 = arith.constant dense<0.000000e+00> : vector<1000x128xf32>
    %dot_general3A_81 = tpu.matmul %get3A_1, %get3A_79, %dot_general3A_80 {dimension_numbers = #tpu.dot_dimension_numbers<[1], [0], [0], [1], [0, 0, 1, 1], [], []>, transpose_lhs_hint = false} : vector<1000x128xf32>, vector<128x128xf32>, vector<1000x128xf32> -> vector<1000x128xf32>
    %mul3A_82 = vector.broadcast %slice3A_73 : vector<1000x1xf32> to vector<1000x128xf32>
    %mul3A_83 = arith.mulf %mul3A_82, %dot_general3A_81 : vector<1000x128xf32>
    %add3A_84 = arith.addf %add3A_72, %mul3A_83 : vector<1000x128xf32>
    %slice3A_85 = vector.extract_strided_slice %get3A_4 {offsets = [0, 6], sizes = [1000, 1], strides = [1, 1]} : vector<1000x16xf32> to vector<1000x1xf32>
    %get3A_86 = arith.constant 0 : index
    %get3A_87 = arith.constant 6 : index
    %get3A_88 = arith.constant 0 : index
    %get3A_89 = arith.constant 0 : index
    %get3A_90 = vector.load %arg5[%get3A_86, %get3A_87, %get3A_88, %get3A_89] : memref<2x16x128x128xf32, #tpu.memory_space<vmem>>, vector<1x1x128x128xf32>
    %get3A_91 = vector.shape_cast %get3A_90 : vector<1x1x128x128xf32> to vector<128x128xf32>
    %dot_general3A_92 = arith.constant dense<0.000000e+00> : vector<1000x128xf32>
    %dot_general3A_93 = tpu.matmul %get3A_1, %get3A_91, %dot_general3A_92 {dimension_numbers = #tpu.dot_dimension_numbers<[1], [0], [0], [1], [0, 0, 1, 1], [], []>, transpose_lhs_hint = false} : vector<1000x128xf32>, vector<128x128xf32>, vector<1000x128xf32> -> vector<1000x128xf32>
    %mul3A_94 = vector.broadcast %slice3A_85 : vector<1000x1xf32> to vector<1000x128xf32>
    %mul3A_95 = arith.mulf %mul3A_94, %dot_general3A_93 : vector<1000x128xf32>
    %add3A_96 = arith.addf %add3A_84, %mul3A_95 : vector<1000x128xf32>
    %slice3A_97 = vector.extract_strided_slice %get3A_4 {offsets = [0, 7], sizes = [1000, 1], strides = [1, 1]} : vector<1000x16xf32> to vector<1000x1xf32>
    %get3A_98 = arith.constant 0 : index
    %get3A_99 = arith.constant 7 : index
    %get3A_100 = arith.constant 0 : index
    %get3A_101 = arith.constant 0 : index
    %get3A_102 = vector.load %arg5[%get3A_98, %get3A_99, %get3A_100, %get3A_101] : memref<2x16x128x128xf32, #tpu.memory_space<vmem>>, vector<1x1x128x128xf32>
    %get3A_103 = vector.shape_cast %get3A_102 : vector<1x1x128x128xf32> to vector<128x128xf32>
    %dot_general3A_104 = arith.constant dense<0.000000e+00> : vector<1000x128xf32>
    %dot_general3A_105 = tpu.matmul %get3A_1, %get3A_103, %dot_general3A_104 {dimension_numbers = #tpu.dot_dimension_numbers<[1], [0], [0], [1], [0, 0, 1, 1], [], []>, transpose_lhs_hint = false} : vector<1000x128xf32>, vector<128x128xf32>, vector<1000x128xf32> -> vector<1000x128xf32>
    %mul3A_106 = vector.broadcast %slice3A_97 : vector<1000x1xf32> to vector<1000x128xf32>
    %mul3A_107 = arith.mulf %mul3A_106, %dot_general3A_105 : vector<1000x128xf32>
    %add3A_108 = arith.addf %add3A_96, %mul3A_107 : vector<1000x128xf32>
    %slice3A_109 = vector.extract_strided_slice %get3A_4 {offsets = [0, 8], sizes = [1000, 1], strides = [1, 1]} : vector<1000x16xf32> to vector<1000x1xf32>
    %get3A_110 = arith.constant 0 : index
    %get3A_111 = arith.constant 8 : index
    %get3A_112 = arith.constant 0 : index
    %get3A_113 = arith.constant 0 : index
    %get3A_114 = vector.load %arg5[%get3A_110, %get3A_111, %get3A_112, %get3A_113] : memref<2x16x128x128xf32, #tpu.memory_space<vmem>>, vector<1x1x128x128xf32>
    %get3A_115 = vector.shape_cast %get3A_114 : vector<1x1x128x128xf32> to vector<128x128xf32>
    %dot_general3A_116 = arith.constant dense<0.000000e+00> : vector<1000x128xf32>
    %dot_general3A_117 = tpu.matmul %get3A_1, %get3A_115, %dot_general3A_116 {dimension_numbers = #tpu.dot_dimension_numbers<[1], [0], [0], [1], [0, 0, 1, 1], [], []>, transpose_lhs_hint = false} : vector<1000x128xf32>, vector<128x128xf32>, vector<1000x128xf32> -> vector<1000x128xf32>
    %mul3A_118 = vector.broadcast %slice3A_109 : vector<1000x1xf32> to vector<1000x128xf32>
    %mul3A_119 = arith.mulf %mul3A_118, %dot_general3A_117 : vector<1000x128xf32>
    %add3A_120 = arith.addf %add3A_108, %mul3A_119 : vector<1000x128xf32>
    %slice3A_121 = vector.extract_strided_slice %get3A_4 {offsets = [0, 9], sizes = [1000, 1], strides = [1, 1]} : vector<1000x16xf32> to vector<1000x1xf32>
    %get3A_122 = arith.constant 0 : index
    %get3A_123 = arith.constant 9 : index
    %get3A_124 = arith.constant 0 : index
    %get3A_125 = arith.constant 0 : index
    %get3A_126 = vector.load %arg5[%get3A_122, %get3A_123, %get3A_124, %get3A_125] : memref<2x16x128x128xf32, #tpu.memory_space<vmem>>, vector<1x1x128x128xf32>
    %get3A_127 = vector.shape_cast %get3A_126 : vector<1x1x128x128xf32> to vector<128x128xf32>
    %dot_general3A_128 = arith.constant dense<0.000000e+00> : vector<1000x128xf32>
    %dot_general3A_129 = tpu.matmul %get3A_1, %get3A_127, %dot_general3A_128 {dimension_numbers = #tpu.dot_dimension_numbers<[1], [0], [0], [1], [0, 0, 1, 1], [], []>, transpose_lhs_hint = false} : vector<1000x128xf32>, vector<128x128xf32>, vector<1000x128xf32> -> vector<1000x128xf32>
    %mul3A_130 = vector.broadcast %slice3A_121 : vector<1000x1xf32> to vector<1000x128xf32>
    %mul3A_131 = arith.mulf %mul3A_130, %dot_general3A_129 : vector<1000x128xf32>
    %add3A_132 = arith.addf %add3A_120, %mul3A_131 : vector<1000x128xf32>
    %slice3A_133 = vector.extract_strided_slice %get3A_4 {offsets = [0, 10], sizes = [1000, 1], strides = [1, 1]} : vector<1000x16xf32> to vector<1000x1xf32>
    %get3A_134 = arith.constant 0 : index
    %get3A_135 = arith.constant 10 : index
    %get3A_136 = arith.constant 0 : index
    %get3A_137 = arith.constant 0 : index
    %get3A_138 = vector.load %arg5[%get3A_134, %get3A_135, %get3A_136, %get3A_137] : memref<2x16x128x128xf32, #tpu.memory_space<vmem>>, vector<1x1x128x128xf32>
    %get3A_139 = vector.shape_cast %get3A_138 : vector<1x1x128x128xf32> to vector<128x128xf32>
    %dot_general3A_140 = arith.constant dense<0.000000e+00> : vector<1000x128xf32>
    %dot_general3A_141 = tpu.matmul %get3A_1, %get3A_139, %dot_general3A_140 {dimension_numbers = #tpu.dot_dimension_numbers<[1], [0], [0], [1], [0, 0, 1, 1], [], []>, transpose_lhs_hint = false} : vector<1000x128xf32>, vector<128x128xf32>, vector<1000x128xf32> -> vector<1000x128xf32>
    %mul3A_142 = vector.broadcast %slice3A_133 : vector<1000x1xf32> to vector<1000x128xf32>
    %mul3A_143 = arith.mulf %mul3A_142, %dot_general3A_141 : vector<1000x128xf32>
    %add3A_144 = arith.addf %add3A_132, %mul3A_143 : vector<1000x128xf32>
    %slice3A_145 = vector.extract_strided_slice %get3A_4 {offsets = [0, 11], sizes = [1000, 1], strides = [1, 1]} : vector<1000x16xf32> to vector<1000x1xf32>
    %get3A_146 = arith.constant 0 : index
    %get3A_147 = arith.constant 11 : index
    %get3A_148 = arith.constant 0 : index
    %get3A_149 = arith.constant 0 : index
    %get3A_150 = vector.load %arg5[%get3A_146, %get3A_147, %get3A_148, %get3A_149] : memref<2x16x128x128xf32, #tpu.memory_space<vmem>>, vector<1x1x128x128xf32>
    %get3A_151 = vector.shape_cast %get3A_150 : vector<1x1x128x128xf32> to vector<128x128xf32>
    %dot_general3A_152 = arith.constant dense<0.000000e+00> : vector<1000x128xf32>
    %dot_general3A_153 = tpu.matmul %get3A_1, %get3A_151, %dot_general3A_152 {dimension_numbers = #tpu.dot_dimension_numbers<[1], [0], [0], [1], [0, 0, 1, 1], [], []>, transpose_lhs_hint = false} : vector<1000x128xf32>, vector<128x128xf32>, vector<1000x128xf32> -> vector<1000x128xf32>
    %mul3A_154 = vector.broadcast %slice3A_145 : vector<1000x1xf32> to vector<1000x128xf32>
    %mul3A_155 = arith.mulf %mul3A_154, %dot_general3A_153 : vector<1000x128xf32>
    %add3A_156 = arith.addf %add3A_144, %mul3A_155 : vector<1000x128xf32>
    %slice3A_157 = vector.extract_strided_slice %get3A_4 {offsets = [0, 12], sizes = [1000, 1], strides = [1, 1]} : vector<1000x16xf32> to vector<1000x1xf32>
    %get3A_158 = arith.constant 0 : index
    %get3A_159 = arith.constant 12 : index
    %get3A_160 = arith.constant 0 : index
    %get3A_161 = arith.constant 0 : index
    %get3A_162 = vector.load %arg5[%get3A_158, %get3A_159, %get3A_160, %get3A_161] : memref<2x16x128x128xf32, #tpu.memory_space<vmem>>, vector<1x1x128x128xf32>
    %get3A_163 = vector.shape_cast %get3A_162 : vector<1x1x128x128xf32> to vector<128x128xf32>
    %dot_general3A_164 = arith.constant dense<0.000000e+00> : vector<1000x128xf32>
    %dot_general3A_165 = tpu.matmul %get3A_1, %get3A_163, %dot_general3A_164 {dimension_numbers = #tpu.dot_dimension_numbers<[1], [0], [0], [1], [0, 0, 1, 1], [], []>, transpose_lhs_hint = false} : vector<1000x128xf32>, vector<128x128xf32>, vector<1000x128xf32> -> vector<1000x128xf32>
    %mul3A_166 = vector.broadcast %slice3A_157 : vector<1000x1xf32> to vector<1000x128xf32>
    %mul3A_167 = arith.mulf %mul3A_166, %dot_general3A_165 : vector<1000x128xf32>
    %add3A_168 = arith.addf %add3A_156, %mul3A_167 : vector<1000x128xf32>
    %slice3A_169 = vector.extract_strided_slice %get3A_4 {offsets = [0, 13], sizes = [1000, 1], strides = [1, 1]} : vector<1000x16xf32> to vector<1000x1xf32>
    %get3A_170 = arith.constant 0 : index
    %get3A_171 = arith.constant 13 : index
    %get3A_172 = arith.constant 0 : index
    %get3A_173 = arith.constant 0 : index
    %get3A_174 = vector.load %arg5[%get3A_170, %get3A_171, %get3A_172, %get3A_173] : memref<2x16x128x128xf32, #tpu.memory_space<vmem>>, vector<1x1x128x128xf32>
    %get3A_175 = vector.shape_cast %get3A_174 : vector<1x1x128x128xf32> to vector<128x128xf32>
    %dot_general3A_176 = arith.constant dense<0.000000e+00> : vector<1000x128xf32>
    %dot_general3A_177 = tpu.matmul %get3A_1, %get3A_175, %dot_general3A_176 {dimension_numbers = #tpu.dot_dimension_numbers<[1], [0], [0], [1], [0, 0, 1, 1], [], []>, transpose_lhs_hint = false} : vector<1000x128xf32>, vector<128x128xf32>, vector<1000x128xf32> -> vector<1000x128xf32>
    %mul3A_178 = vector.broadcast %slice3A_169 : vector<1000x1xf32> to vector<1000x128xf32>
    %mul3A_179 = arith.mulf %mul3A_178, %dot_general3A_177 : vector<1000x128xf32>
    %add3A_180 = arith.addf %add3A_168, %mul3A_179 : vector<1000x128xf32>
    %slice3A_181 = vector.extract_strided_slice %get3A_4 {offsets = [0, 14], sizes = [1000, 1], strides = [1, 1]} : vector<1000x16xf32> to vector<1000x1xf32>
    %get3A_182 = arith.constant 0 : index
    %get3A_183 = arith.constant 14 : index
    %get3A_184 = arith.constant 0 : index
    %get3A_185 = arith.constant 0 : index
    %get3A_186 = vector.load %arg5[%get3A_182, %get3A_183, %get3A_184, %get3A_185] : memref<2x16x128x128xf32, #tpu.memory_space<vmem>>, vector<1x1x128x128xf32>
    %get3A_187 = vector.shape_cast %get3A_186 : vector<1x1x128x128xf32> to vector<128x128xf32>
    %dot_general3A_188 = arith.constant dense<0.000000e+00> : vector<1000x128xf32>
    %dot_general3A_189 = tpu.matmul %get3A_1, %get3A_187, %dot_general3A_188 {dimension_numbers = #tpu.dot_dimension_numbers<[1], [0], [0], [1], [0, 0, 1, 1], [], []>, transpose_lhs_hint = false} : vector<1000x128xf32>, vector<128x128xf32>, vector<1000x128xf32> -> vector<1000x128xf32>
    %mul3A_190 = vector.broadcast %slice3A_181 : vector<1000x1xf32> to vector<1000x128xf32>
    %mul3A_191 = arith.mulf %mul3A_190, %dot_general3A_189 : vector<1000x128xf32>
    %add3A_192 = arith.addf %add3A_180, %mul3A_191 : vector<1000x128xf32>
    %slice3A_193 = vector.extract_strided_slice %get3A_4 {offsets = [0, 15], sizes = [1000, 1], strides = [1, 1]} : vector<1000x16xf32> to vector<1000x1xf32>
    %get3A_194 = arith.constant 0 : index
    %get3A_195 = arith.constant 15 : index
    %get3A_196 = arith.constant 0 : index
    %get3A_197 = arith.constant 0 : index
    %get3A_198 = vector.load %arg5[%get3A_194, %get3A_195, %get3A_196, %get3A_197] : memref<2x16x128x128xf32, #tpu.memory_space<vmem>>, vector<1x1x128x128xf32>
    %get3A_199 = vector.shape_cast %get3A_198 : vector<1x1x128x128xf32> to vector<128x128xf32>
    %dot_general3A_200 = arith.constant dense<0.000000e+00> : vector<1000x128xf32>
    %dot_general3A_201 = tpu.matmul %get3A_1, %get3A_199, %dot_general3A_200 {dimension_numbers = #tpu.dot_dimension_numbers<[1], [0], [0], [1], [0, 0, 1, 1], [], []>, transpose_lhs_hint = false} : vector<1000x128xf32>, vector<128x128xf32>, vector<1000x128xf32> -> vector<1000x128xf32>
    %mul3A_202 = vector.broadcast %slice3A_193 : vector<1000x1xf32> to vector<1000x128xf32>
    %mul3A_203 = arith.mulf %mul3A_202, %dot_general3A_201 : vector<1000x128xf32>
    %add3A_204 = arith.addf %add3A_192, %mul3A_203 : vector<1000x128xf32>
    %logistic3A = arith.negf %add3A_204 : vector<1000x128xf32>
    %logistic3A_205 = math.exp %logistic3A : vector<1000x128xf32>
    %logistic3A_206 = arith.constant 1.000000e+00 : f32
    %logistic3A_207 = vector.broadcast %logistic3A_206 : f32 to vector<1000x128xf32>
    %logistic3A_208 = arith.addf %logistic3A_207, %logistic3A_205 : vector<1000x128xf32>
    %logistic3A_209 = arith.divf %logistic3A_207, %logistic3A_208 : vector<1000x128xf32>
    %mul3A_210 = arith.mulf %add3A_204, %logistic3A_209 : vector<1000x128xf32>
    %swap3A = arith.constant 0 : index
    %swap3A_211 = arith.constant 0 : index
    %swap3A_212 = arith.constant 0 : index
    %swap3A_213 = vector.load %arg6[%swap3A, %swap3A_211, %swap3A_212] : memref<2x1000x128xf32, #tpu.memory_space<vmem>>, vector<1x1000x128xf32>
    %swap3A_214 = vector.shape_cast %swap3A_213 : vector<1x1000x128xf32> to vector<1000x128xf32>
    %swap3A_215 = vector.shape_cast %mul3A_210 : vector<1000x128xf32> to vector<1x1000x128xf32>
    tpu.vector_store %arg6[%swap3A, %swap3A_211, %swap3A_212], %swap3A_215 {strides = array<i32>} : memref<2x1000x128xf32, #tpu.memory_space<vmem>>, vector<1x1000x128xf32>,
    %get3A_216 = arith.constant 1 : index
    %get3A_217 = arith.constant 0 : index
    %get3A_218 = arith.constant 0 : index
    %get3A_219 = vector.load %arg3[%get3A_216, %get3A_217, %get3A_218] : memref<2x1000x128xf32, #tpu.memory_space<vmem>>, vector<1x1000x128xf32>
    %get3A_220 = vector.shape_cast %get3A_219 : vector<1x1000x128xf32> to vector<1000x128xf32>
    %get3A_221 = arith.constant 1 : index
    %get3A_222 = arith.constant 0 : index
    %get3A_223 = arith.constant 0 : index
    %get3A_224 = vector.load %arg4[%get3A_221, %get3A_222, %get3A_223] : memref<2x128x128xf32, #tpu.memory_space<vmem>>, vector<1x128x128xf32>
    %get3A_225 = vector.shape_cast %get3A_224 : vector<1x128x128xf32> to vector<128x128xf32>
    %dot_general3A_226 = arith.constant dense<0.000000e+00> : vector<1000x128xf32>
    %dot_general3A_227 = tpu.matmul %get3A_220, %get3A_225, %dot_general3A_226 {dimension_numbers = #tpu.dot_dimension_numbers<[1], [0], [0], [1], [0, 0, 1, 1], [], []>, transpose_lhs_hint = false} : vector<1000x128xf32>, vector<128x128xf32>, vector<1000x128xf32> -> vector<1000x128xf32>
    %slice3A_228 = vector.extract_strided_slice %get3A_4 {offsets = [0, 0], sizes = [1000, 1], strides = [1, 1]} : vector<1000x16xf32> to vector<1000x1xf32>
    %get3A_229 = arith.constant 1 : index
    %get3A_230 = arith.constant 0 : index
    %get3A_231 = arith.constant 0 : index
    %get3A_232 = arith.constant 0 : index
    %get3A_233 = vector.load %arg5[%get3A_229, %get3A_230, %get3A_231, %get3A_232] : memref<2x16x128x128xf32, #tpu.memory_space<vmem>>, vector<1x1x128x128xf32>
    %get3A_234 = vector.shape_cast %get3A_233 : vector<1x1x128x128xf32> to vector<128x128xf32>
    %dot_general3A_235 = arith.constant dense<0.000000e+00> : vector<1000x128xf32>
    %dot_general3A_236 = tpu.matmul %get3A_1, %get3A_234, %dot_general3A_235 {dimension_numbers = #tpu.dot_dimension_numbers<[1], [0], [0], [1], [0, 0, 1, 1], [], []>, transpose_lhs_hint = false} : vector<1000x128xf32>, vector<128x128xf32>, vector<1000x128xf32> -> vector<1000x128xf32>
    %mul3A_237 = vector.broadcast %slice3A_228 : vector<1000x1xf32> to vector<1000x128xf32>
    %mul3A_238 = arith.mulf %mul3A_237, %dot_general3A_236 : vector<1000x128xf32>
    %add3A_239 = arith.addf %dot_general3A_227, %mul3A_238 : vector<1000x128xf32>
    %slice3A_240 = vector.extract_strided_slice %get3A_4 {offsets = [0, 1], sizes = [1000, 1], strides = [1, 1]} : vector<1000x16xf32> to vector<1000x1xf32>
    %get3A_241 = arith.constant 1 : index
    %get3A_242 = arith.constant 1 : index
    %get3A_243 = arith.constant 0 : index
    %get3A_244 = arith.constant 0 : index
    %get3A_245 = vector.load %arg5[%get3A_241, %get3A_242, %get3A_243, %get3A_244] : memref<2x16x128x128xf32, #tpu.memory_space<vmem>>, vector<1x1x128x128xf32>
    %get3A_246 = vector.shape_cast %get3A_245 : vector<1x1x128x128xf32> to vector<128x128xf32>
    %dot_general3A_247 = arith.constant dense<0.000000e+00> : vector<1000x128xf32>
    %dot_general3A_248 = tpu.matmul %get3A_1, %get3A_246, %dot_general3A_247 {dimension_numbers = #tpu.dot_dimension_numbers<[1], [0], [0], [1], [0, 0, 1, 1], [], []>, transpose_lhs_hint = false} : vector<1000x128xf32>, vector<128x128xf32>, vector<1000x128xf32> -> vector<1000x128xf32>
    %mul3A_249 = vector.broadcast %slice3A_240 : vector<1000x1xf32> to vector<1000x128xf32>
    %mul3A_250 = arith.mulf %mul3A_249, %dot_general3A_248 : vector<1000x128xf32>
    %add3A_251 = arith.addf %add3A_239, %mul3A_250 : vector<1000x128xf32>
    %slice3A_252 = vector.extract_strided_slice %get3A_4 {offsets = [0, 2], sizes = [1000, 1], strides = [1, 1]} : vector<1000x16xf32> to vector<1000x1xf32>
    %get3A_253 = arith.constant 1 : index
    %get3A_254 = arith.constant 2 : index
    %get3A_255 = arith.constant 0 : index
    %get3A_256 = arith.constant 0 : index
    %get3A_257 = vector.load %arg5[%get3A_253, %get3A_254, %get3A_255, %get3A_256] : memref<2x16x128x128xf32, #tpu.memory_space<vmem>>, vector<1x1x128x128xf32>
    %get3A_258 = vector.shape_cast %get3A_257 : vector<1x1x128x128xf32> to vector<128x128xf32>
    %dot_general3A_259 = arith.constant dense<0.000000e+00> : vector<1000x128xf32>
    %dot_general3A_260 = tpu.matmul %get3A_1, %get3A_258, %dot_general3A_259 {dimension_numbers = #tpu.dot_dimension_numbers<[1], [0], [0], [1], [0, 0, 1, 1], [], []>, transpose_lhs_hint = false} : vector<1000x128xf32>, vector<128x128xf32>, vector<1000x128xf32> -> vector<1000x128xf32>
    %mul3A_261 = vector.broadcast %slice3A_252 : vector<1000x1xf32> to vector<1000x128xf32>
    %mul3A_262 = arith.mulf %mul3A_261, %dot_general3A_260 : vector<1000x128xf32>
    %add3A_263 = arith.addf %add3A_251, %mul3A_262 : vector<1000x128xf32>
    %slice3A_264 = vector.extract_strided_slice %get3A_4 {offsets = [0, 3], sizes = [1000, 1], strides = [1, 1]} : vector<1000x16xf32> to vector<1000x1xf32>
    %get3A_265 = arith.constant 1 : index
    %get3A_266 = arith.constant 3 : index
    %get3A_267 = arith.constant 0 : index
    %get3A_268 = arith.constant 0 : index
    %get3A_269 = vector.load %arg5[%get3A_265, %get3A_266, %get3A_267, %get3A_268] : memref<2x16x128x128xf32, #tpu.memory_space<vmem>>, vector<1x1x128x128xf32>
    %get3A_270 = vector.shape_cast %get3A_269 : vector<1x1x128x128xf32> to vector<128x128xf32>
    %dot_general3A_271 = arith.constant dense<0.000000e+00> : vector<1000x128xf32>
    %dot_general3A_272 = tpu.matmul %get3A_1, %get3A_270, %dot_general3A_271 {dimension_numbers = #tpu.dot_dimension_numbers<[1], [0], [0], [1], [0, 0, 1, 1], [], []>, transpose_lhs_hint = false} : vector<1000x128xf32>, vector<128x128xf32>, vector<1000x128xf32> -> vector<1000x128xf32>
    %mul3A_273 = vector.broadcast %slice3A_264 : vector<1000x1xf32> to vector<1000x128xf32>
    %mul3A_274 = arith.mulf %mul3A_273, %dot_general3A_272 : vector<1000x128xf32>
    %add3A_275 = arith.addf %add3A_263, %mul3A_274 : vector<1000x128xf32>
    %slice3A_276 = vector.extract_strided_slice %get3A_4 {offsets = [0, 4], sizes = [1000, 1], strides = [1, 1]} : vector<1000x16xf32> to vector<1000x1xf32>
    %get3A_277 = arith.constant 1 : index
    %get3A_278 = arith.constant 4 : index
    %get3A_279 = arith.constant 0 : index
    %get3A_280 = arith.constant 0 : index
    %get3A_281 = vector.load %arg5[%get3A_277, %get3A_278, %get3A_279, %get3A_280] : memref<2x16x128x128xf32, #tpu.memory_space<vmem>>, vector<1x1x128x128xf32>
    %get3A_282 = vector.shape_cast %get3A_281 : vector<1x1x128x128xf32> to vector<128x128xf32>
    %dot_general3A_283 = arith.constant dense<0.000000e+00> : vector<1000x128xf32>
    %dot_general3A_284 = tpu.matmul %get3A_1, %get3A_282, %dot_general3A_283 {dimension_numbers = #tpu.dot_dimension_numbers<[1], [0], [0], [1], [0, 0, 1, 1], [], []>, transpose_lhs_hint = false} : vector<1000x128xf32>, vector<128x128xf32>, vector<1000x128xf32> -> vector<1000x128xf32>
    %mul3A_285 = vector.broadcast %slice3A_276 : vector<1000x1xf32> to vector<1000x128xf32>
    %mul3A_286 = arith.mulf %mul3A_285, %dot_general3A_284 : vector<1000x128xf32>
    %add3A_287 = arith.addf %add3A_275, %mul3A_286 : vector<1000x128xf32>
    %slice3A_288 = vector.extract_strided_slice %get3A_4 {offsets = [0, 5], sizes = [1000, 1], strides = [1, 1]} : vector<1000x16xf32> to vector<1000x1xf32>
    %get3A_289 = arith.constant 1 : index
    %get3A_290 = arith.constant 5 : index
    %get3A_291 = arith.constant 0 : index
    %get3A_292 = arith.constant 0 : index
    %get3A_293 = vector.load %arg5[%get3A_289, %get3A_290, %get3A_291, %get3A_292] : memref<2x16x128x128xf32, #tpu.memory_space<vmem>>, vector<1x1x128x128xf32>
    %get3A_294 = vector.shape_cast %get3A_293 : vector<1x1x128x128xf32> to vector<128x128xf32>
    %dot_general3A_295 = arith.constant dense<0.000000e+00> : vector<1000x128xf32>
    %dot_general3A_296 = tpu.matmul %get3A_1, %get3A_294, %dot_general3A_295 {dimension_numbers = #tpu.dot_dimension_numbers<[1], [0], [0], [1], [0, 0, 1, 1], [], []>, transpose_lhs_hint = false} : vector<1000x128xf32>, vector<128x128xf32>, vector<1000x128xf32> -> vector<1000x128xf32>
    %mul3A_297 = vector.broadcast %slice3A_288 : vector<1000x1xf32> to vector<1000x128xf32>
    %mul3A_298 = arith.mulf %mul3A_297, %dot_general3A_296 : vector<1000x128xf32>
    %add3A_299 = arith.addf %add3A_287, %mul3A_298 : vector<1000x128xf32>
    %slice3A_300 = vector.extract_strided_slice %get3A_4 {offsets = [0, 6], sizes = [1000, 1], strides = [1, 1]} : vector<1000x16xf32> to vector<1000x1xf32>
    %get3A_301 = arith.constant 1 : index
    %get3A_302 = arith.constant 6 : index
    %get3A_303 = arith.constant 0 : index
    %get3A_304 = arith.constant 0 : index
    %get3A_305 = vector.load %arg5[%get3A_301, %get3A_302, %get3A_303, %get3A_304] : memref<2x16x128x128xf32, #tpu.memory_space<vmem>>, vector<1x1x128x128xf32>
    %get3A_306 = vector.shape_cast %get3A_305 : vector<1x1x128x128xf32> to vector<128x128xf32>
    %dot_general3A_307 = arith.constant dense<0.000000e+00> : vector<1000x128xf32>
    %dot_general3A_308 = tpu.matmul %get3A_1, %get3A_306, %dot_general3A_307 {dimension_numbers = #tpu.dot_dimension_numbers<[1], [0], [0], [1], [0, 0, 1, 1], [], []>, transpose_lhs_hint = false} : vector<1000x128xf32>, vector<128x128xf32>, vector<1000x128xf32> -> vector<1000x128xf32>
    %mul3A_309 = vector.broadcast %slice3A_300 : vector<1000x1xf32> to vector<1000x128xf32>
    %mul3A_310 = arith.mulf %mul3A_309, %dot_general3A_308 : vector<1000x128xf32>
    %add3A_311 = arith.addf %add3A_299, %mul3A_310 : vector<1000x128xf32>
    %slice3A_312 = vector.extract_strided_slice %get3A_4 {offsets = [0, 7], sizes = [1000, 1], strides = [1, 1]} : vector<1000x16xf32> to vector<1000x1xf32>
    %get3A_313 = arith.constant 1 : index
    %get3A_314 = arith.constant 7 : index
    %get3A_315 = arith.constant 0 : index
    %get3A_316 = arith.constant 0 : index
    %get3A_317 = vector.load %arg5[%get3A_313, %get3A_314, %get3A_315, %get3A_316] : memref<2x16x128x128xf32, #tpu.memory_space<vmem>>, vector<1x1x128x128xf32>
    %get3A_318 = vector.shape_cast %get3A_317 : vector<1x1x128x128xf32> to vector<128x128xf32>
    %dot_general3A_319 = arith.constant dense<0.000000e+00> : vector<1000x128xf32>
    %dot_general3A_320 = tpu.matmul %get3A_1, %get3A_318, %dot_general3A_319 {dimension_numbers = #tpu.dot_dimension_numbers<[1], [0], [0], [1], [0, 0, 1, 1], [], []>, transpose_lhs_hint = false} : vector<1000x128xf32>, vector<128x128xf32>, vector<1000x128xf32> -> vector<1000x128xf32>
    %mul3A_321 = vector.broadcast %slice3A_312 : vector<1000x1xf32> to vector<1000x128xf32>
    %mul3A_322 = arith.mulf %mul3A_321, %dot_general3A_320 : vector<1000x128xf32>
    %add3A_323 = arith.addf %add3A_311, %mul3A_322 : vector<1000x128xf32>
    %slice3A_324 = vector.extract_strided_slice %get3A_4 {offsets = [0, 8], sizes = [1000, 1], strides = [1, 1]} : vector<1000x16xf32> to vector<1000x1xf32>
    %get3A_325 = arith.constant 1 : index
    %get3A_326 = arith.constant 8 : index
    %get3A_327 = arith.constant 0 : index
    %get3A_328 = arith.constant 0 : index
    %get3A_329 = vector.load %arg5[%get3A_325, %get3A_326, %get3A_327, %get3A_328] : memref<2x16x128x128xf32, #tpu.memory_space<vmem>>, vector<1x1x128x128xf32>
    %get3A_330 = vector.shape_cast %get3A_329 : vector<1x1x128x128xf32> to vector<128x128xf32>
    %dot_general3A_331 = arith.constant dense<0.000000e+00> : vector<1000x128xf32>
    %dot_general3A_332 = tpu.matmul %get3A_1, %get3A_330, %dot_general3A_331 {dimension_numbers = #tpu.dot_dimension_numbers<[1], [0], [0], [1], [0, 0, 1, 1], [], []>, transpose_lhs_hint = false} : vector<1000x128xf32>, vector<128x128xf32>, vector<1000x128xf32> -> vector<1000x128xf32>
    %mul3A_333 = vector.broadcast %slice3A_324 : vector<1000x1xf32> to vector<1000x128xf32>
    %mul3A_334 = arith.mulf %mul3A_333, %dot_general3A_332 : vector<1000x128xf32>
    %add3A_335 = arith.addf %add3A_323, %mul3A_334 : vector<1000x128xf32>
    %slice3A_336 = vector.extract_strided_slice %get3A_4 {offsets = [0, 9], sizes = [1000, 1], strides = [1, 1]} : vector<1000x16xf32> to vector<1000x1xf32>
    %get3A_337 = arith.constant 1 : index
    %get3A_338 = arith.constant 9 : index
    %get3A_339 = arith.constant 0 : index
    %get3A_340 = arith.constant 0 : index
    %get3A_341 = vector.load %arg5[%get3A_337, %get3A_338, %get3A_339, %get3A_340] : memref<2x16x128x128xf32, #tpu.memory_space<vmem>>, vector<1x1x128x128xf32>
    %get3A_342 = vector.shape_cast %get3A_341 : vector<1x1x128x128xf32> to vector<128x128xf32>
    %dot_general3A_343 = arith.constant dense<0.000000e+00> : vector<1000x128xf32>
    %dot_general3A_344 = tpu.matmul %get3A_1, %get3A_342, %dot_general3A_343 {dimension_numbers = #tpu.dot_dimension_numbers<[1], [0], [0], [1], [0, 0, 1, 1], [], []>, transpose_lhs_hint = false} : vector<1000x128xf32>, vector<128x128xf32>, vector<1000x128xf32> -> vector<1000x128xf32>
    %mul3A_345 = vector.broadcast %slice3A_336 : vector<1000x1xf32> to vector<1000x128xf32>
    %mul3A_346 = arith.mulf %mul3A_345, %dot_general3A_344 : vector<1000x128xf32>
    %add3A_347 = arith.addf %add3A_335, %mul3A_346 : vector<1000x128xf32>
    %slice3A_348 = vector.extract_strided_slice %get3A_4 {offsets = [0, 10], sizes = [1000, 1], strides = [1, 1]} : vector<1000x16xf32> to vector<1000x1xf32>
    %get3A_349 = arith.constant 1 : index
    %get3A_350 = arith.constant 10 : index
    %get3A_351 = arith.constant 0 : index
    %get3A_352 = arith.constant 0 : index
    %get3A_353 = vector.load %arg5[%get3A_349, %get3A_350, %get3A_351, %get3A_352] : memref<2x16x128x128xf32, #tpu.memory_space<vmem>>, vector<1x1x128x128xf32>
    %get3A_354 = vector.shape_cast %get3A_353 : vector<1x1x128x128xf32> to vector<128x128xf32>
    %dot_general3A_355 = arith.constant dense<0.000000e+00> : vector<1000x128xf32>
    %dot_general3A_356 = tpu.matmul %get3A_1, %get3A_354, %dot_general3A_355 {dimension_numbers = #tpu.dot_dimension_numbers<[1], [0], [0], [1], [0, 0, 1, 1], [], []>, transpose_lhs_hint = false} : vector<1000x128xf32>, vector<128x128xf32>, vector<1000x128xf32> -> vector<1000x128xf32>
    %mul3A_357 = vector.broadcast %slice3A_348 : vector<1000x1xf32> to vector<1000x128xf32>
    %mul3A_358 = arith.mulf %mul3A_357, %dot_general3A_356 : vector<1000x128xf32>
    %add3A_359 = arith.addf %add3A_347, %mul3A_358 : vector<1000x128xf32>
    %slice3A_360 = vector.extract_strided_slice %get3A_4 {offsets = [0, 11], sizes = [1000, 1], strides = [1, 1]} : vector<1000x16xf32> to vector<1000x1xf32>
    %get3A_361 = arith.constant 1 : index
    %get3A_362 = arith.constant 11 : index
    %get3A_363 = arith.constant 0 : index
    %get3A_364 = arith.constant 0 : index
    %get3A_365 = vector.load %arg5[%get3A_361, %get3A_362, %get3A_363, %get3A_364] : memref<2x16x128x128xf32, #tpu.memory_space<vmem>>, vector<1x1x128x128xf32>
    %get3A_366 = vector.shape_cast %get3A_365 : vector<1x1x128x128xf32> to vector<128x128xf32>
    %dot_general3A_367 = arith.constant dense<0.000000e+00> : vector<1000x128xf32>
    %dot_general3A_368 = tpu.matmul %get3A_1, %get3A_366, %dot_general3A_367 {dimension_numbers = #tpu.dot_dimension_numbers<[1], [0], [0], [1], [0, 0, 1, 1], [], []>, transpose_lhs_hint = false} : vector<1000x128xf32>, vector<128x128xf32>, vector<1000x128xf32> -> vector<1000x128xf32>
    %mul3A_369 = vector.broadcast %slice3A_360 : vector<1000x1xf32> to vector<1000x128xf32>
    %mul3A_370 = arith.mulf %mul3A_369, %dot_general3A_368 : vector<1000x128xf32>
    %add3A_371 = arith.addf %add3A_359, %mul3A_370 : vector<1000x128xf32>
    %slice3A_372 = vector.extract_strided_slice %get3A_4 {offsets = [0, 12], sizes = [1000, 1], strides = [1, 1]} : vector<1000x16xf32> to vector<1000x1xf32>
    %get3A_373 = arith.constant 1 : index
    %get3A_374 = arith.constant 12 : index
    %get3A_375 = arith.constant 0 : index
    %get3A_376 = arith.constant 0 : index
    %get3A_377 = vector.load %arg5[%get3A_373, %get3A_374, %get3A_375, %get3A_376] : memref<2x16x128x128xf32, #tpu.memory_space<vmem>>, vector<1x1x128x128xf32>
    %get3A_378 = vector.shape_cast %get3A_377 : vector<1x1x128x128xf32> to vector<128x128xf32>
    %dot_general3A_379 = arith.constant dense<0.000000e+00> : vector<1000x128xf32>
    %dot_general3A_380 = tpu.matmul %get3A_1, %get3A_378, %dot_general3A_379 {dimension_numbers = #tpu.dot_dimension_numbers<[1], [0], [0], [1], [0, 0, 1, 1], [], []>, transpose_lhs_hint = false} : vector<1000x128xf32>, vector<128x128xf32>, vector<1000x128xf32> -> vector<1000x128xf32>
    %mul3A_381 = vector.broadcast %slice3A_372 : vector<1000x1xf32> to vector<1000x128xf32>
    %mul3A_382 = arith.mulf %mul3A_381, %dot_general3A_380 : vector<1000x128xf32>
    %add3A_383 = arith.addf %add3A_371, %mul3A_382 : vector<1000x128xf32>
    %slice3A_384 = vector.extract_strided_slice %get3A_4 {offsets = [0, 13], sizes = [1000, 1], strides = [1, 1]} : vector<1000x16xf32> to vector<1000x1xf32>
    %get3A_385 = arith.constant 1 : index
    %get3A_386 = arith.constant 13 : index
    %get3A_387 = arith.constant 0 : index
    %get3A_388 = arith.constant 0 : index
    %get3A_389 = vector.load %arg5[%get3A_385, %get3A_386, %get3A_387, %get3A_388] : memref<2x16x128x128xf32, #tpu.memory_space<vmem>>, vector<1x1x128x128xf32>
    %get3A_390 = vector.shape_cast %get3A_389 : vector<1x1x128x128xf32> to vector<128x128xf32>
    %dot_general3A_391 = arith.constant dense<0.000000e+00> : vector<1000x128xf32>
    %dot_general3A_392 = tpu.matmul %get3A_1, %get3A_390, %dot_general3A_391 {dimension_numbers = #tpu.dot_dimension_numbers<[1], [0], [0], [1], [0, 0, 1, 1], [], []>, transpose_lhs_hint = false} : vector<1000x128xf32>, vector<128x128xf32>, vector<1000x128xf32> -> vector<1000x128xf32>
    %mul3A_393 = vector.broadcast %slice3A_384 : vector<1000x1xf32> to vector<1000x128xf32>
    %mul3A_394 = arith.mulf %mul3A_393, %dot_general3A_392 : vector<1000x128xf32>
    %add3A_395 = arith.addf %add3A_383, %mul3A_394 : vector<1000x128xf32>
    %slice3A_396 = vector.extract_strided_slice %get3A_4 {offsets = [0, 14], sizes = [1000, 1], strides = [1, 1]} : vector<1000x16xf32> to vector<1000x1xf32>
    %get3A_397 = arith.constant 1 : index
    %get3A_398 = arith.constant 14 : index
    %get3A_399 = arith.constant 0 : index
    %get3A_400 = arith.constant 0 : index
    %get3A_401 = vector.load %arg5[%get3A_397, %get3A_398, %get3A_399, %get3A_400] : memref<2x16x128x128xf32, #tpu.memory_space<vmem>>, vector<1x1x128x128xf32>
    %get3A_402 = vector.shape_cast %get3A_401 : vector<1x1x128x128xf32> to vector<128x128xf32>
    %dot_general3A_403 = arith.constant dense<0.000000e+00> : vector<1000x128xf32>
    %dot_general3A_404 = tpu.matmul %get3A_1, %get3A_402, %dot_general3A_403 {dimension_numbers = #tpu.dot_dimension_numbers<[1], [0], [0], [1], [0, 0, 1, 1], [], []>, transpose_lhs_hint = false} : vector<1000x128xf32>, vector<128x128xf32>, vector<1000x128xf32> -> vector<1000x128xf32>
    %mul3A_405 = vector.broadcast %slice3A_396 : vector<1000x1xf32> to vector<1000x128xf32>
    %mul3A_406 = arith.mulf %mul3A_405, %dot_general3A_404 : vector<1000x128xf32>
    %add3A_407 = arith.addf %add3A_395, %mul3A_406 : vector<1000x128xf32>
    %slice3A_408 = vector.extract_strided_slice %get3A_4 {offsets = [0, 15], sizes = [1000, 1], strides = [1, 1]} : vector<1000x16xf32> to vector<1000x1xf32>
    %get3A_409 = arith.constant 1 : index
    %get3A_410 = arith.constant 15 : index
    %get3A_411 = arith.constant 0 : index
    %get3A_412 = arith.constant 0 : index
    %get3A_413 = vector.load %arg5[%get3A_409, %get3A_410, %get3A_411, %get3A_412] : memref<2x16x128x128xf32, #tpu.memory_space<vmem>>, vector<1x1x128x128xf32>
    %get3A_414 = vector.shape_cast %get3A_413 : vector<1x1x128x128xf32> to vector<128x128xf32>
    %dot_general3A_415 = arith.constant dense<0.000000e+00> : vector<1000x128xf32>
    %dot_general3A_416 = tpu.matmul %get3A_1, %get3A_414, %dot_general3A_415 {dimension_numbers = #tpu.dot_dimension_numbers<[1], [0], [0], [1], [0, 0, 1, 1], [], []>, transpose_lhs_hint = false} : vector<1000x128xf32>, vector<128x128xf32>, vector<1000x128xf32> -> vector<1000x128xf32>
    %mul3A_417 = vector.broadcast %slice3A_408 : vector<1000x1xf32> to vector<1000x128xf32>
    %mul3A_418 = arith.mulf %mul3A_417, %dot_general3A_416 : vector<1000x128xf32>
    %add3A_419 = arith.addf %add3A_407, %mul3A_418 : vector<1000x128xf32>
    %logistic3A_420 = arith.negf %add3A_419 : vector<1000x128xf32>
    %logistic3A_421 = math.exp %logistic3A_420 : vector<1000x128xf32>
    %logistic3A_422 = arith.constant 1.000000e+00 : f32
    %logistic3A_423 = vector.broadcast %logistic3A_422 : f32 to vector<1000x128xf32>
    %logistic3A_424 = arith.addf %logistic3A_423, %logistic3A_421 : vector<1000x128xf32>
    %logistic3A_425 = arith.divf %logistic3A_423, %logistic3A_424 : vector<1000x128xf32>
    %mul3A_426 = arith.mulf %add3A_419, %logistic3A_425 : vector<1000x128xf32>
    %swap3A_427 = arith.constant 1 : index
    %swap3A_428 = arith.constant 0 : index
    %swap3A_429 = arith.constant 0 : index
    %swap3A_430 = vector.load %arg6[%swap3A_427, %swap3A_428, %swap3A_429] : memref<2x1000x128xf32, #tpu.memory_space<vmem>>, vector<1x1000x128xf32>
    %swap3A_431 = vector.shape_cast %swap3A_430 : vector<1x1000x128xf32> to vector<1000x128xf32>
    %swap3A_432 = vector.shape_cast %mul3A_426 : vector<1000x128xf32> to vector<1x1000x128xf32>
    tpu.vector_store %arg6[%swap3A_427, %swap3A_428, %swap3A_429], %swap3A_432 {strides = array<i32>} : memref<2x1000x128xf32, #tpu.memory_space<vmem>>, vector<1x1000x128xf32>,
    return
  }
  func.func @transform_0(%arg0: i32) -> (i32, i32) {
    %c0_i32 = arith.constant 0 : i32
    %c0_i32_0 = arith.constant 0 : i32
    return %arg0, %c0_i32 : i32, i32
  }
  func.func @transform_1(%arg0: i32) -> (i32, i32) {
    %c0_i32 = arith.constant 0 : i32
    %c0_i32_0 = arith.constant 0 : i32
    return %arg0, %c0_i32 : i32, i32
  }
  func.func @transform_2(%arg0: i32) -> (i32, i32, i32) {
    %c0_i32 = arith.constant 0 : i32
    %c0_i32_0 = arith.constant 0 : i32
    %c0_i32_1 = arith.constant 0 : i32
    return %c0_i32, %arg0, %c0_i32_0 : i32, i32, i32
  }
  func.func @transform_3(%arg0: i32) -> (i32, i32, i32) {
    %c0_i32 = arith.constant 0 : i32
    %c0_i32_0 = arith.constant 0 : i32
    %c0_i32_1 = arith.constant 0 : i32
    %c0_i32_2 = arith.constant 0 : i32
    return %c0_i32, %c0_i32_0, %c0_i32_1 : i32, i32, i32
  }
  func.func @transform_4(%arg0: i32) -> (i32, i32, i32, i32) {
    %c0_i32 = arith.constant 0 : i32
    %c0_i32_0 = arith.constant 0 : i32
    %c0_i32_1 = arith.constant 0 : i32
    %c0_i32_2 = arith.constant 0 : i32
    %c0_i32_3 = arith.constant 0 : i32
    return %c0_i32, %c0_i32_0, %c0_i32_1, %c0_i32_2 : i32, i32, i32, i32
  }
  func.func @transform_5(%arg0: i32) -> (i32, i32, i32) {
    %c0_i32 = arith.constant 0 : i32
    %c0_i32_0 = arith.constant 0 : i32
    %c0_i32_1 = arith.constant 0 : i32
    return %c0_i32, %arg0, %c0_i32_0 : i32, i32, i32
  }
}

</mosaic_0001>

<sc_bundles>
// kernel: kernel.6.cloned.1.call-start
scs
__scs_entry_jumppad:
0x0: {  	(pc) =	sbr.rel $0x88, $3  }
0x1: {  	(tag) =	ssettag $0x0;
	lr =	simm.s32 $0x1  }
0x2: {  	[smem:$0x3F96] =	sst lr;
	_ =	strace $0xD0000000  }
0x3: {  	_ = 	snop  }
0x4: {  	_ = 	snop  }
0x5: {  	_ = 	snop  }
0x6: {  	_ = 	snop  }
0x7: {  	_ = 	snop  }
__scs_overlays_trampoline_lowered:
0x8: {  	[smem:$0x3FA5] =	sst s0  }
0x9: {  	[smem:$0x3FA6] =	sst s1  }
0xa: {  	[smem:$0x3FA7] =	sst s2  }
0xb: {  	[smem:$0x3FA8] =	sst s3  }
0xc: {  	[smem:$0x3FA9] =	sst s4  }
0xd: {  	[smem:$0x3FAA] =	sst s5  }
0xe: {  	[smem:$0x3FAB] =	sst s6  }
0xf: {  	[smem:$0x3FAC] =	sst s7  }
0x10: {  	[smem:$0x3FAD] =	sst s8  }
0x11: {  	[smem:$0x3FAE] =	sst s9;
	s0 =	simm.s32 @!p0 $0x0  }
0x12: {  	s1 =	sld [smem:$0x3F94];
	s0 =	simm.s32 @p0 $0x1  }
0x13: {  	[smem:$0x3FAF] =	sst s0;
	s0 =	simm.s32 @!p1 $0x0  }
0x14: {  	s2 =	sld [smem:$0x3F93];
	s0 =	simm.s32 @p1 $0x1  }
0x15: {  	[smem:$0x3FB0] =	sst s0;
	s0 =	simm.s32 @!p2 $0x0  }
0x16: {  	s3 =	sld [smem:$0x3FDB];
	s0 =	simm.s32 @p2 $0x1  }
0x17: {  	s4 =	simm.s32 $0x1BF5;
	[smem:$0x3FB2] =	sst s0  }
0x18: {  	s0 =	sld [smem:$0x3F95];
	_ =	swait.ge [sflag:s4], $0x0  }
0x19: {  	s7 =	sld [smem:$0x3F96]  }
0x1a: {  	s8 =	sadd.s32 $0xFFFFE003, lr  }
0x1b: {  	s9 =	sadd.s32 $0xFFFFFEF7, lr;
	s5 =	simm.s32 $0xFFFFFFFF;
	p2 =	slt.u32 s8, $0xFFFFF086  }
0x1c: {  	p1 =	slt.u32 s9, $0xF7A;
	s5 =	simm.s32 @!p2 $0x0  }
0x1d: {  	s5 =	simm.s32 @p1 $0x1;
	p0 =	seq.s32 s7, s2  }
0x1e: {  	s7 =	smul.u32 @!p0 $0xF7A, s2;
	p2 =	seq.s32 @!p0 s5, $0x0  }
0x1f: {  	s9 =	smul.u32 $0xF7A, s1;
	s8 =	simm.s32 @!p0 $0x1BF5;
	p2 =	por !p2, p0  }
0x20: {  	[sflag:s8] =	ssyncset.s32 @!p0 $0xFFFFF086;
	s6 =	sadd.s32 @!p0 s3, s7;
	s7 =	simm.s32 @!p0 $0x108  }
0x21: {  	s3 =	sadd.s32 s3, s9;
	s6 =	sadd.s32 @!p0 $0x88, s6;
	s7 =	simm.s32 @p2 $0x1082  }
0x22: {  	[simem:s7], [sflag:s8] =	dma.local @!p0 [hbm:s6], $0xF7A  }
0x23: {  	s9 =	sor.u32 $0xD0000000, s2;
	s6 =	simm.s32 $0x108;
	_ =	swait.ge @!p0 [sflag:s8], $0x0  }
0x24: {  	s3 =	sadd.s32 $0x88, s3;
	s6 =	simm.s32 @!p1 $0x1082;
	[sflag:s4] =	ssyncset.s32 $0xFFFFF086  }
0x25: {  	[simem:s6], [sflag:s4] =	dma.local [hbm:s3], $0xF7A  }
0x26: {  	[smem:$0x3F96] =	sst s1;
	(tag) =	ssettag s2;
	_ =	strace s9  }
0x27: {  	s1 =	sld [smem:$0x3FA6]  }
0x28: {  	s2 =	sld [smem:$0x3FA7]  }
0x29: {  	s4 =	sld [smem:$0x3FA9]  }
0x2a: {  	p0 =	seq.s32 s5, $0x0;
	s5 =	sld [smem:$0x3FAA]  }
0x2b: {  	s6 =	sld [smem:$0x3FAB]  }
0x2c: {  	s7 =	sld [smem:$0x3FAC]  }
0x2d: {  	s3 =	simm.s32 $0x108;
	s8 =	sld [smem:$0x3FAD]  }
0x2e: {  	s3 =	simm.s32 @!p0 $0x1082;
	s9 =	sld [smem:$0x3FAE]  }
0x2f: {  	lr =	sadd.s32 s0, s3;
	s0 =	sld [smem:$0x3FA5]  }
0x30: {  	s3 =	sld [smem:$0x3FA8]  }
0x31: {  	[smem:$0x3FB1] =	sst s10  }
0x32: {  	s10 =	sld [smem:$0x3FAF];
	_ =	sdelay $0x3  }
0x33: {  	p0 =	seq.s32 s10, $0x1;
	s10 =	sld [smem:$0x3FB1];
	_ =	sdelay $0x3  }
0x34: {  	[smem:$0x3FB1] =	sst s10  }
0x35: {  	s10 =	sld [smem:$0x3FB0];
	_ =	sdelay $0x3  }
0x36: {  	p1 =	seq.s32 s10, $0x1;
	s10 =	sld [smem:$0x3FB1];
	_ =	sdelay $0x3  }
0x37: {  	[smem:$0x3FB1] =	sst s10  }
0x38: {  	s10 =	sld [smem:$0x3FB2]  }
0x39: {  	_ = 	snop;
	(pc) =	sbr.ind lr, $3  }
0x3a: {  	_ = 	snop  }
0x3b: {  	_ = 	snop  }
0x3c: {  	p2 =	seq.s32 s10, $0x1;
	s10 =	sld [smem:$0x3FB1]  }
0x3d: {  	_ =	shalt  }
0x3e: {  	_ =	shalt  }
0x3f: {  	_ =	shalt  }
0x40: {  	_ =	shalt  }
0x41: {  	_ =	shalt  }
0x42: {  	_ =	shalt  }
0x43: {  	_ =	shalt  }
0x44: {  	_ =	shalt  }
0x45: {  	_ =	shalt  }
0x46: {  	_ =	shalt  }
0x47: {  	_ =	shalt  }
0x48: {  	_ =	shalt  }
0x49: {  	_ =	shalt  }
0x4a: {  	_ =	shalt  }
0x4b: {  	_ =	shalt  }
0x4c: {  	_ =	shalt  }
0x4d: {  	_ =	shalt  }
0x4e: {  	_ =	shalt  }
0x4f: {  	_ =	shalt  }
0x50: {  	_ =	shalt  }
0x51: {  	_ =	shalt  }
0x52: {  	_ =	shalt  }
0x53: {  	_ =	shalt  }
0x54: {  	_ =	shalt  }
0x55: {  	_ =	shalt  }
0x56: {  	_ =	shalt  }
0x57: {  	_ =	shalt  }
0x58: {  	_ =	shalt  }
0x59: {  	_ =	shalt  }
0x5a: {  	_ =	shalt  }
0x5b: {  	_ =	shalt  }
0x5c: {  	_ =	shalt  }
0x5d: {  	_ =	shalt  }
0x5e: {  	_ =	shalt  }
0x5f: {  	_ =	shalt  }
0x60: {  	_ =	shalt  }
0x61: {  	_ =	shalt  }
0x62: {  	_ =	shalt  }
0x63: {  	_ =	shalt  }
0x64: {  	_ =	shalt  }
0x65: {  	_ =	shalt  }
0x66: {  	_ =	shalt  }
0x67: {  	_ =	shalt  }
0x68: {  	_ =	shalt  }
0x69: {  	_ =	shalt  }
0x6a: {  	_ =	shalt  }
0x6b: {  	_ =	shalt  }
0x6c: {  	_ =	shalt  }
0x6d: {  	_ =	shalt  }
0x6e: {  	_ =	shalt  }
0x6f: {  	_ =	shalt  }
0x70: {  	_ =	shalt  }
0x71: {  	_ =	shalt  }
0x72: {  	_ =	shalt  }
0x73: {  	_ =	shalt  }
0x74: {  	_ =	shalt  }
0x75: {  	_ =	shalt  }
0x76: {  	_ =	shalt  }
0x77: {  	_ =	shalt  }
0x78: {  	_ =	shalt  }
0x79: {  	_ =	shalt  }
0x7a: {  	_ =	shalt  }
0x7b: {  	_ =	shalt  }
0x7c: {  	_ =	shalt  }
0x7d: {  	_ =	shalt  }
0x7e: {  	_ =	shalt  }
0x7f: {  	_ =	shalt  }
0x80: {  	_ =	shalt  }
0x81: {  	_ =	shalt  }
0x82: {  	_ =	shalt  }
0x83: {  	_ =	shalt  }
0x84: {  	_ =	shalt  }
0x85: {  	_ =	shalt  }
0x86: {  	_ =	shalt  }
0x87: {  	_ =	shalt  }
.Lfunc_end0:
.L_simem_size_0:
called_computation_lowered:
.L_overlay_start_0:
0x88: {  	s2 =	sld [smem:$0x3FD9]  }
0x89: {  	s3 =	sld [smem:$0x3FFE];
	_ =	sdelay $0x1  }
0x8a: {  	s1 =	srdreg.scid  }
0x8b: {  	s0 =	sand.u32 $0x1, s1  }
0x8c: {  	s17 =	sshll.u32 s0, $0xA;
	s2 =	sadd.s32 s3, s2  }
0x8d: {  	s2 =	sadd.s32 s2, s17  }
0x8e: {  	[smem:$0x3FBD] =	sst s2  }
0x8f: {  	_ = 	snop  }
0x90: {  	s2 =	sld [smem:$0x3FD0];
	(tm) =	ssettm $0x1  }
0x91: {  	s18 =	sld [smem:$0x3FFB];
	_ =	sdelay $0x3  }
0x92: {  	_ =	strace s18  }
0x93: {  	s3 =	sld [smem:$0x3FFC];
	_ =	sdelay $0x3  }
0x94: {  	_ =	strace s3  }
0x95: {  	s3 =	sld [smem:$0x3FFD];
	_ =	sdelay $0x3  }
0x96: {  	_ =	strace s3  }
0x97: {  	_ =	strace $0x8FFFFFFF  }
0x98: {  	s19 =	sld [smem:$0x3FDB];
	_ =	sdelay $0x1  }
0x99: {  	s4 =	simm.s32 $_scs_section_size  }
0x9a: {  	s5 =	simm.s32 $_size__tile_overlayer_lowered;
	s6 =	simm.s32 $_tile_overlayer_lowered  }
0x9b: {  	s22 =	simm.s32 $0x1BFF;
	s21 =	sshll.u32 s6, $0x1;
	s3 =	sadd.s32 s4, s19  }
0x9c: {  	s7 =	simm.s32 $0x0;
	s20 =	sshll.u32 s5, $0x1;
	s5 =	sadd.s32 s21, s3  }
0x9d: {  	[timem:s7], [sflag:s22] =	dma.local [hbm:s5], s20  }
0x9e: {  	_ =	swait.ge [sflag:s22], s20  }
0x9f: {  	s4 =	ssub.s32 $0x0, s20;
	[sflag:s22] =	ssyncset.done $0x0  }
0xa0: {  	[sflag:s22] =	ssyncadd.s32 s4;
	_ =	sdelay $0x1  }
0xa1: {  	s23 =	simm.s32 $0x1B8B  }
0xa2: {  	_ =	swait.ge [sflag:s23], $0x1  }
0xa3: {  	[sflag:s23] =	ssyncset.done $0x0  }
0xa4: {  	s25 =	simm.s32 $0x1B8E;
	s24 =	sld [smem:$0x3FFE];
	[sflag:s23] =	ssyncadd.s32 $0xFFFFFFFF  }
0xa5: {  	s26 =	simm.s32 $execute0_lowered;
	[smem:$0x3FD2] =	sst s25  }
0xa6: {  	s5 =	sshll.u32 s26, $0x1;
	_ =	strace $0x80000046;
	[dreg:$0x1] =	wrdreg $0xFFFFFFFF  }
0xa7: {  	s28 =	simm.s32 $_size_execute0_lowered;
	s3 =	sadd.s32 s3, s5;
	[dreg:$0x0] =	wrdreg $0x0  }
0xa8: {  	s5 =	sshll.u32 s28, $0x1;
	[dreg:$0x2] =	wrdreg s3  }
0xa9: {  	[dreg:$0x3] =	wrdreg s5  }
0xaa: {  	[dreg:$0x4] =	wrdreg $0xC0  }
0xab: {  	_ =	task [dreg:s7], $0x5FFFF  }
0xac: {  	[dreg:$0x1] =	wrdreg $0xFFFFFFFF  }
0xad: {  	[dreg:$0x0] =	wrdreg $0x60  }
0xae: {  	[dreg:$0x2] =	wrdreg s24  }
0xaf: {  	[dreg:$0x3] =	wrdreg s2  }
0xb0: {  	[dreg:$0x4] =	wrdreg $0xA2000  }
0xb1: {  	[dreg:$0x5] =	wrdreg $0x9  }
0xb2: {  	_ =	task.clear_ibuf [dreg:s7], $0x6FFFF;
	_ =	strace $0x90000046  }
0xb3: {  	s29 =	simm.s32 $0x9;
	_ =	strace $0x80000048  }
0xb4: {  	_ =	swait.ge [sflag:s29], $0x1  }
0xb5: {  	[sflag:s29] =	ssyncadd.s32 $0xFFFFFFFF  }
0xb6: {  	_ =	strace $0x90000048  }
0xb7: {  	_ =	sfence  }
0xb8: {  	s30 =	sld [smem:$0x0];
	_ =	sdelay $0x2  }
0xb9: {  	s31 =	sshll.u32 s1, $0xD;
	s1 =	sshrl.u32 s1, $0x2  }
0xba: {  	s3 =	sand.u32 $0x4000, s31;
	s1 =	sadd.s32 s1, s30  }
0xbb: {  	s0 =	sor.u32 s3, s0;
	s1 =	sshll.u32 s1, $0x11  }
0xbc: {  	s0 =	sor.u32 s1, s0  }
0xbd: {  	s0 =	sadd.s32 $0x8F2B, s0  }
0xbe: {  	[sflag:s0] =	ssyncadd.remote.s32 $0x1  }
0xbf: {  	_ =	sfence.sel $0xFFFF  }
0xc0: {  	[dreg:$0x0] =	wrdreg $0xFFFFFFFF;
	(pc) =	sbr.abs _section_cstart, $3  }
0xc1: {  	[dreg:$0x1] =	wrdreg $0xFFFFFFFF  }
0xc2: {  	_ =	task.clear_ibuf [dreg:s7], $0x2FFFF;
	_ =	strace $0x9FFFFFFF  }
0xc3: {  	(tm) =	ssettm $0x7FFFFFFF  }
tec
execute0_lowered:
.L_overlay_start_1:
0x0: {  	(tag) =	ssettag $0x1  }
0x1: {  	s0 =	rddreg [dreg:$0x0]  }
0x2: {  	s3 =	rddreg [dreg:$0x1]  }
0x3: {  	s1 =	rddreg [dreg:$0x2];
	s2 =	simm.s32 $0x0  }
0x4: {  	s6 =	srdreg.scid;
	s19 =	stileid.u32;
	s28 =	simm.s32 $0x1  }
0x5: {  	s29 =	simm.s32 $0x3;
	s30 =	simm.s32 $0x2;
	[smem:$0x7FF] =	sst s2  }
0x6: {  	s31 =	simm.s32 $0x4;
	s4 =	sadd.s32 $0x9DA600, s0;
	s5 =	sadd.s32 $0xA01800, s0  }
0x7: {  	s9 =	sand.u32 $0x1, s6;
	s6 =	sadd.s32 $0xC800, s0;
	s11 =	smul.u32 $0x50000, s19  }
0x8: {  	s7 =	sadd.s32 $0x2A00, s0;
	s8 =	smul.u32 $0x4E20, s19;
	p0 =	sgt.u32 s19, $0xD  }
0x9: {  	_ =	strace $0x80000047;
	s10 =	ssub.s32 $0x2, s9;
	s15 =	smul.u32 $0x4E200, s9  }
0xa: {  	s9 =	smul.u32 $0x138800, s9;
	p1 =	sne.s32 @p0 s19, $0xE;
	s13 =	sshrl.u32 s10, $0x1  }
0xb: {  	s14 =	sshrl.u32 s11, $0x2;
	s12 =	sshrl.u32 s8, $0x3;
	p1 =	por p1, !p0  }
0xc: {  	s0 =	ssub.s32 s10, s13;
	s13 =	sshll.u32 s19, $0xE;
	s20 =	sadd.s32 s14, s1  }
0xd: {  	s16 =	sadd.s32 s6, s12;
	s11 =	sadd.s32 s8, s15;
	s22 =	sadd.s32 s7, s12  }
0xe: {  	s23 =	sadd.s32 $0xA, s12;
	[dreg:$0x5] =	wrdreg s16;
	s10 =	sor.u32 $0x40000, s13  }
0xf: {  	s14 =	sadd.s32 s9, s13;
	s16 =	sor.u32 $0x80000, s13;
	[dreg:$0xb] =	wrdreg s22  }
0x10: {  	s24 =	sshll.u32 s11, $0x4;
	s25 =	sadd.s32 s6, s23;
	s12 =	sadd.s32 s13, s1  }
0x11: {  	s0 =	smax.u32 s0, $0x1;
	s19 =	sadd.s32 $0x2800, s20;
	[dreg:$0x4] =	wrdreg s20  }
0x12: {  	s22 =	sadd.s32 $0x7800, s20;
	s15 =	sadd.s32 s9, s10;
	[dreg:$0xc] =	wrdreg s25  }
0x13: {  	s14 =	sshrl.u32 s14, $0x3;
	s18 =	sadd.s32 s9, s16;
	[dreg:$0x10] =	wrdreg s0  }
0x14: {  	s26 =	sadd.s32 s5, s24;
	s10 =	sadd.s32 s10, s1;
	[dreg:$0x17] =	wrdreg s19  }
0x15: {  	s0 =	sadd.s32 $0x138000, s1;
	[dreg:$0x19] =	wrdreg s22;
	s24 =	sadd.s32 $0xC800, s20  }
0x16: {  	s25 =	sadd.s32 $0xF000, s20;
	s19 =	simm.s32 $0x80;
	[dreg:$0xe] =	wrdreg s26  }
0x17: {  	s22 =	simm.s32 $0x50;
	s15 =	sshrl.u32 s15, $0x3;
	[dreg:$0x1b] =	wrdreg s24  }
0x18: {  	s14 =	sadd.s32 s3, s14;
	s0 =	sshrl.u32 @!p1 s0, $0x3;
	[dreg:$0x1c] =	wrdreg s25  }
0x19: {  	s26 =	sadd.s32 $0x11800, s20;
	s24 =	simm.s32 $0x6;
	[dreg:$0x6] =	wrdreg s14  }
0x1a: {  	s25 =	simm.s32 $0x2A00;
	s17 =	sadd.s32 s3, s15;
	[dreg:$0x15] =	wrdreg s0  }
0x1b: {  	s14 =	sshrl.u32 s18, $0x3;
	s15 =	sor.u32 $0xC0000, s13;
	[dreg:$0x1d] =	wrdreg s26  }
0x1c: {  	s26 =	simm.s32 $0x7A00;
	[dreg:$0x7] =	wrdreg s17;
	s17 =	sor.u32 $0x100000, s13  }
0x1d: {  	s14 =	sadd.s32 s3, s14;
	s21 =	sadd.s32 s9, s15;
	s13 =	sadd.s32 s16, s1  }
0x1e: {  	s16 =	sshrl.u32 s10, $0x3;
	[dreg:$0x8] =	wrdreg s14;
	s18 =	sadd.s32 s9, s17  }
0x1f: {  	s14 =	sshrl.u32 s21, $0x3;
	s9 =	sshrl.u32 s9, $0x3;
	[dreg:$0x12] =	wrdreg s16  }
0x20: {  	s21 =	sadd.s32 $0x5000, s20;
	s16 =	simm.s32 $0x5200;
	s18 =	sshrl.u32 s18, $0x3  }
0x21: {  	s14 =	sadd.s32 s3, s14;
	s9 =	sadd.s32 s3, s9;
	[dreg:$0x18] =	wrdreg s21  }
0x22: {  	[dreg:$0x9] =	wrdreg s14;
	s3 =	sadd.s32 s3, s18;
	s14 =	sadd.s32 s15, s1  }
0x23: {  	s9 =	sadd.s32 $0x27000, s9;
	s15 =	sshrl.u32 s12, $0x3;
	[dreg:$0xa] =	wrdreg s3  }
0x24: {  	s3 =	sadd.s32 s7, s23;
	[dreg:$0xf] =	wrdreg s9;
	s9 =	sadd.s32 s17, s1  }
0x25: {  	[dreg:$0x11] =	wrdreg s15;
	s17 =	sshrl.u32 s13, $0x3;
	s18 =	sshrl.u32 s14, $0x3  }
.Ltmp0:
0x26: {  	s23 =	sadd.s32 $0xA000, s20;
	[dreg:$0xd] =	wrdreg s3;
	(pc) =	sbr.rel .LBB2_1-.Ltmp0, $4  }
0x27: {  	s14 =	sadd.s32 $0x50, s11;
	s15 =	sadd.s32 $0xF0, s8;
	[dreg:$0x13] =	wrdreg s17  }
0x28: {  	s20 =	simm.s32 $0x180;
	[dreg:$0x14] =	wrdreg s18;
	s0 =	sshrl.u32 @!p0 s9, $0x3  }
0x29: {  	[dreg:$0x1a] =	wrdreg s23;
	s17 =	simm.s32 $0x7;
	s18 =	simm.s32 $0x100  }
0x2a: {  	v0 =	vimm.f32 $0.0e+00;
	s23 =	simm.s32 $0x200;
	[dreg:$0x16] =	wrdreg s0;
	s0 =	simm.s32 $0x0  }
.LBB2_10:
0x2b: {  	s3 =	stileid.u32;
	[bflag:$0x0] =	sbarrier.arrive $0xFFFF  }
0x2c: {  	s3 =	sshll.u32 s3, $0x6;
	s9 =	rddreg [dreg:$0x6]  }
0x2d: {  	s10 =	rddreg [dreg:$0x11];
	s3 =	sor.u32 $0x1C07, s3  }
0x2e: {  	[hbm:s9], [sflag:s3] =	dma.local [spmem:s10], $0x800  }
0x2f: {  	_ =	swait.ge [sflag:s17], $0x800  }
0x30: {  	[sflag:s17] =	ssyncset.done $0x0;
	s10 =	rddreg [dreg:$0x7]  }
0x31: {  	s12 =	rddreg [dreg:$0x12];
	[sflag:s17] =	ssyncadd.s32 $0xFFFFF800  }
0x32: {  	[hbm:s10], [sflag:s3] =	dma.local [spmem:s12], $0x800  }
0x33: {  	_ =	swait.ge [sflag:s17], $0x800  }
0x34: {  	[sflag:s17] =	ssyncset.done $0x0;
	s13 =	rddreg [dreg:$0x8]  }
0x35: {  	s21 =	rddreg [dreg:$0x13];
	[sflag:s17] =	ssyncadd.s32 $0xFFFFF800  }
0x36: {  	[hbm:s13], [sflag:s3] =	dma.local [spmem:s21], $0x800  }
0x37: {  	_ =	swait.ge [sflag:s17], $0x800  }
0x38: {  	[sflag:s17] =	ssyncset.done $0x0;
	s12 =	rddreg [dreg:$0x9]  }
0x39: {  	s13 =	rddreg [dreg:$0x14];
	[sflag:s17] =	ssyncadd.s32 $0xFFFFF800  }
0x3a: {  	[hbm:s12], [sflag:s3] =	dma.local [spmem:s13], $0x800  }
0x3b: {  	_ =	swait.ge [sflag:s17], $0x800  }
0x3c: {  	[sflag:s17] =	ssyncset.done $0x0;
	s9 =	rddreg [dreg:$0xf]  }
0x3d: {  	s10 =	rddreg [dreg:$0x15];
	[sflag:s17] =	ssyncadd.s32 $0xFFFFF800  }
0x3e: {  	[hbm:s9], [sflag:s3] =	dma.local @!p1 [spmem:s10], $0x100  }
0x3f: {  	s9 =	simm.s32 @!p1 $0x7  }
0x40: {  	_ =	swait.ge @!p1 [sflag:s9], $0x100  }
0x41: {  	[sflag:s9] =	ssyncset.done @!p1 $0x0;
	s10 =	rddreg [dreg:$0x16]  }
0x42: {  	[sflag:s9] =	ssyncadd.s32 @!p1 $0xFFFFFF00;
	s9 =	rddreg [dreg:$0xa]  }
0x43: {  	[hbm:s9], [sflag:s3] =	dma.local @!p0 [spmem:s10], $0x800  }
0x44: {  	s3 =	simm.s32 @!p0 $0x7  }
0x45: {  	_ =	swait.ge @!p0 [sflag:s3], $0x800  }
0x46: {  	s0 =	sadd.s32 $0x1, s0;
	s21 =	rddreg [dreg:$0x10]  }
0x47: {  	p2 =	sne.s32 s0, s21  }
.Ltmp1:
0x48: {  	_ = 	snop;
	(pc) =	sbr.rel @!p2 .LBB2_11-.Ltmp1, $3  }
0x49: {  	_ =	sdelay $0x1  }
0x4a: {  	[sflag:s3] =	ssyncset.done @!p0 $0x0  }
0x4b: {  	[sflag:s3] =	ssyncadd.s32 @!p0 $0xFFFFF800  }
.LBB2_1:
0x4c: {  	s3 =	simm.s32 $0x0;
	s9 =	simm.s32 $0x200  }
.LBB2_2:
0x4d: {  	p2 =	sne.s32 s9, $0x9E00;
	[tilespmem:s3+$0x5270] =	vst v0  }
0x4e: {  	[tilespmem:s3+$0x5200] =	vst v0  }
0x4f: {  	[tilespmem:s3+$0x5210] =	vst v0  }
.Ltmp2:
0x50: {  	[tilespmem:s3+$0x5220] =	vst v0;
	(pc) =	sbr.rel @p2 .LBB2_2-.Ltmp2, $4  }
0x51: {  	[tilespmem:s3+$0x5230] =	vst v0  }
0x52: {  	[tilespmem:s3+$0x5240] =	vst v0  }
0x53: {  	[tilespmem:s3+$0x5250] =	vst v0  }
0x54: {  	[tilespmem:s3+$0x5260] =	vst v0;
	s3 =	sshra.s32 s9, $0x2;
	s9 =	sadd.s32 $0x200, s9  }
0x55: {  	[tilespmem:s3+$0x5270] =	vst v0  }
0x56: {  	[tilespmem:s3+$0x5200] =	vst v0  }
0x57: {  	[tilespmem:s3+$0x5210] =	vst v0  }
0x58: {  	[tilespmem:s3+$0x5220] =	vst v0  }
0x59: {  	[tilespmem:s3+$0x5230] =	vst v0  }
0x5a: {  	[tilespmem:s3+$0x5240] =	vst v0  }
0x5b: {  	[tilespmem:s3+$0x5250] =	vst v0  }
0x5c: {  	[tilespmem:s3+$0x5260] =	vst v0;
	s10 =	rddreg [dreg:$0x4]  }
0x5d: {  	[spmem:s10] =	stream.linear.scatter [tilespmem:s16], [sflag:$0x7], $0x2800, $0x38;
	[tilespmem:$0x1E200] =	vst v63  }
0x5e: {  	_ =	swait.ge [sflag:s17], $0x2800  }
0x5f: {  	[sflag:s17] =	ssyncset.done $0x0  }
0x60: {  	s12 =	rddreg [dreg:$0x17];
	[sflag:s17] =	ssyncadd.s32 $0xFFFFD800  }
0x61: {  	[spmem:s12] =	stream.linear.scatter [tilespmem:s16], [sflag:$0x7], $0x2800, $0x38;
	[tilespmem:$0x1E200] =	vst v63  }
0x62: {  	_ =	swait.ge [sflag:s17], $0x2800  }
0x63: {  	[sflag:s17] =	ssyncset.done $0x0  }
0x64: {  	s13 =	rddreg [dreg:$0x18];
	[sflag:s17] =	ssyncadd.s32 $0xFFFFD800  }
0x65: {  	[spmem:s13] =	stream.linear.scatter [tilespmem:s16], [sflag:$0x7], $0x2800, $0x38;
	[tilespmem:$0x1E200] =	vst v63  }
0x66: {  	_ =	swait.ge [sflag:s17], $0x2800  }
0x67: {  	[sflag:s17] =	ssyncset.done $0x0  }
0x68: {  	s21 =	rddreg [dreg:$0x19];
	[sflag:s17] =	ssyncadd.s32 $0xFFFFD800  }
0x69: {  	[spmem:s21] =	stream.linear.scatter [tilespmem:s16], [sflag:$0x7], $0x2800, $0x38;
	[tilespmem:$0x1E200] =	vst v63  }
0x6a: {  	_ =	swait.ge [sflag:s17], $0x2800  }
0x6b: {  	[sflag:s17] =	ssyncset.done $0x0  }
0x6c: {  	s9 =	rddreg [dreg:$0x1a];
	[sflag:s17] =	ssyncadd.s32 $0xFFFFD800  }
0x6d: {  	[spmem:s9] =	stream.linear.scatter [tilespmem:s16], [sflag:$0x7], $0x2800, $0x38;
	[tilespmem:$0x1E200] =	vst v63  }
0x6e: {  	_ =	swait.ge [sflag:s17], $0x2800  }
0x6f: {  	[sflag:s17] =	ssyncset.done $0x0  }
0x70: {  	s10 =	rddreg [dreg:$0x1b];
	[sflag:s17] =	ssyncadd.s32 $0xFFFFD800  }
0x71: {  	[spmem:s10] =	stream.linear.scatter [tilespmem:s16], [sflag:$0x7], $0x2800, $0x38;
	[tilespmem:$0x1E200] =	vst v63  }
0x72: {  	_ =	swait.ge [sflag:s17], $0x2800  }
0x73: {  	[sflag:s17] =	ssyncset.done $0x0  }
0x74: {  	s12 =	rddreg [dreg:$0x1c];
	[sflag:s17] =	ssyncadd.s32 $0xFFFFD800  }
0x75: {  	[spmem:s12] =	stream.linear.scatter [tilespmem:s16], [sflag:$0x7], $0x2800, $0x38;
	[tilespmem:$0x1E200] =	vst v63  }
0x76: {  	_ =	swait.ge [sflag:s17], $0x2800  }
0x77: {  	[sflag:s17] =	ssyncset.done $0x0  }
0x78: {  	s13 =	rddreg [dreg:$0x1d];
	[sflag:s17] =	ssyncadd.s32 $0xFFFFD800  }
0x79: {  	[spmem:s13] =	stream.linear.scatter [tilespmem:s16], [sflag:$0x7], $0x2800, $0x38;
	[tilespmem:$0x1E200] =	vst v63  }
0x7a: {  	_ =	swait.ge [sflag:s17], $0x2800  }
0x7b: {  	[sflag:s17] =	ssyncset.done $0x0  }
0x7c: {  	[sflag:s17] =	ssyncadd.s32 $0xFFFFD800  }
0x7d: {  	[bflag:$0x0] =	sbarrier.arrive $0xFFFF  }
0x7e: {  	s3 =	simm.s32 $0x0;
	s9 =	rddreg [dreg:$0x5]  }
0x7f: {  	[tilespmem:s3], [sflag:$0x5] =	stream.linear.gather [hbm4b:s9+s3], $0x50, $0x38;
	[tilespmem:$0x1E200] =	vst v63  }
0x80: {  	s21 =	rddreg [dreg:$0xb]  }
0x81: {  	[tilespmem:s18], [sflag:$0x5] =	stream.linear.gather [hbm4b:s21+s3], $0x50, $0x38;
	[tilespmem:$0x1E200] =	vst v63  }
0x82: {  	s10 =	rddreg [dreg:$0xc]  }
0x83: {  	[tilespmem:s19], [sflag:$0x6] =	stream.linear.gather [hbm4b:s10+s3], $0x50, $0x38;
	[tilespmem:$0x1E200] =	vst v63  }
0x84: {  	s13 =	simm.s32 $0x5;
	s12 =	rddreg [dreg:$0xd]  }
0x85: {  	[tilespmem:s20], [sflag:$0x6] =	stream.linear.gather [hbm4b:s12+s3], $0x50, $0x38;
	[tilespmem:$0x1E200] =	vst v63  }
0x86: {  	_ =	swait.ge [sflag:s13], $0x50  }
0x87: {  	[sflag:s13] =	ssyncset.done $0x0  }
0x88: {  	[sflag:s13] =	ssyncadd.s32 $0xFFFFFFB0  }
0x89: {  	_ =	swait.ge [sflag:s13], $0x50  }
0x8a: {  	[sflag:s13] =	ssyncset.done $0x0  }
0x8b: {  	[sflag:s13] =	ssyncadd.s32 $0xFFFFFFB0  }
0x8c: {  	[tilespmem:s23], [sflag:$0x1] =	stream.indirect.gather [hbm4b:s4+s22], $0x80, s3, s22, $0xb8;
	[tilespmem:$0x1E200] =	vst v63  }
0x8d: {  	s21 =	rddreg [dreg:$0xe]  }
0x8e: {  	[tilespmem:s16], [sflag:$0x3] =	stream.linear.gather [hbm4b:s21+s3], $0x2800, $0x38;
	[tilespmem:$0x1E200] =	vst v63  }
.LBB2_4:
0x8f: {  	_ =	swait.ge [sflag:s24], $0x50  }
0x90: {  	[sflag:s24] =	ssyncset.done $0x0  }
0x91: {  	s10 =	smul.u32 $0xA0, s3;
	[sflag:s24] =	ssyncadd.s32 $0xFFFFFFB0  }
0x92: {  	_ =	swait.ge [sflag:s24], $0x50  }
0x93: {  	s9 =	sadd.s32 s10, s14;
	[sflag:s24] =	ssyncset.done $0x0  }
0x94: {  	s9 =	sshll.u32 s9, $0x4;
	[sflag:s24] =	ssyncadd.s32 $0xFFFFFFB0  }
0x95: {  	[tilespmem:s25], [sflag:$0x2] =	stream.indirect.gather [hbm4b:s4+s22], $0x80, s19, s22, $0xb8;
	[tilespmem:$0x1E200] =	vst v63  }
0x96: {  	s9 =	sadd.s32 s5, s9  }
0x97: {  	[tilespmem:s26], [sflag:$0x4] =	stream.linear.gather [hbm4b:s9+s2], $0x2800, $0x38;
	[tilespmem:$0x1E200] =	vst v63  }
0x98: {  	_ =	swait.ge [sflag:s28], $0x2800  }
0x99: {  	[sflag:s28] =	ssyncset.done $0x0  }
0x9a: {  	[sflag:s28] =	ssyncadd.s32 $0xFFFFD800  }
0x9b: {  	_ =	swait.ge [sflag:s29], $0x2800  }
0x9c: {  	[sflag:s29] =	ssyncset.done $0x0  }
0x9d: {  	s12 =	simm.s32 $0x280;
	[sflag:s29] =	ssyncadd.s32 $0xFFFFD800  }
0x9e: {  	s13 =	simm.s32 $0x5280;
	v1 =	vld [tilespmem:s12+$0xFFFFFF80]  }
0x9f: {  	v2 =	vld [tilespmem:s13+$0xFFFFFF80];
	_ =	sdelay $0x4  }
0xa0: {  	v1 =	vmul.f32 v2, v1;
	_ =	sdelay $0x1  }
0xa1: {  	[tilespmem:s12+$0xFFFFFF80] =	vst v1;
	v1 =	vld [tilespmem:s12+$0xFFFFFF90]  }
0xa2: {  	v2 =	vld [tilespmem:s13+$0xFFFFFF90];
	_ =	sdelay $0x4  }
0xa3: {  	v1 =	vmul.f32 v2, v1;
	_ =	sdelay $0x1  }
0xa4: {  	[tilespmem:s12+$0xFFFFFF90] =	vst v1;
	v1 =	vld [tilespmem:s12+$0xFFFFFFA0]  }
0xa5: {  	v2 =	vld [tilespmem:s13+$0xFFFFFFA0];
	_ =	sdelay $0x4  }
0xa6: {  	v1 =	vmul.f32 v2, v1;
	_ =	sdelay $0x1  }
0xa7: {  	[tilespmem:s12+$0xFFFFFFA0] =	vst v1;
	v1 =	vld [tilespmem:s12+$0xFFFFFFB0]  }
0xa8: {  	v2 =	vld [tilespmem:s13+$0xFFFFFFB0];
	_ =	sdelay $0x4  }
0xa9: {  	v1 =	vmul.f32 v2, v1;
	_ =	sdelay $0x1  }
0xaa: {  	[tilespmem:s12+$0xFFFFFFB0] =	vst v1;
	v1 =	vld [tilespmem:s12+$0xFFFFFFC0]  }
0xab: {  	v2 =	vld [tilespmem:s13+$0xFFFFFFC0];
	_ =	sdelay $0x4  }
0xac: {  	v1 =	vmul.f32 v2, v1;
	_ =	sdelay $0x1  }
0xad: {  	[tilespmem:s12+$0xFFFFFFC0] =	vst v1;
	v1 =	vld [tilespmem:s12+$0xFFFFFFD0]  }
0xae: {  	v2 =	vld [tilespmem:s13+$0xFFFFFFD0];
	_ =	sdelay $0x4  }
0xaf: {  	v1 =	vmul.f32 v2, v1;
	_ =	sdelay $0x1  }
0xb0: {  	[tilespmem:s12+$0xFFFFFFD0] =	vst v1;
	v1 =	vld [tilespmem:s12+$0xFFFFFFE0]  }
0xb1: {  	v2 =	vld [tilespmem:s13+$0xFFFFFFE0];
	_ =	sdelay $0x4  }
0xb2: {  	v1 =	vmul.f32 v2, v1;
	_ =	sdelay $0x1  }
0xb3: {  	[tilespmem:s12+$0xFFFFFFE0] =	vst v1;
	v1 =	vld [tilespmem:s12+$0xFFFFFFF0]  }
0xb4: {  	v2 =	vld [tilespmem:s13+$0xFFFFFFF0];
	_ =	sdelay $0x4  }
0xb5: {  	v1 =	vmul.f32 v2, v1;
	_ =	sdelay $0x1  }
0xb6: {  	[tilespmem:s12+$0xFFFFFFF0] =	vst v1;
	v1 =	vld [tilespmem:s12+$0x0]  }
0xb7: {  	v2 =	vld [tilespmem:s13+$0x0];
	_ =	sdelay $0x4  }
0xb8: {  	v1 =	vmul.f32 v2, v1;
	_ =	sdelay $0x1  }
0xb9: {  	[tilespmem:s12+$0x0] =	vst v1;
	v1 =	vld [tilespmem:s12+$0x10]  }
0xba: {  	v2 =	vld [tilespmem:s13+$0x10];
	_ =	sdelay $0x4  }
0xbb: {  	v1 =	vmul.f32 v2, v1;
	_ =	sdelay $0x1  }
0xbc: {  	[tilespmem:s12+$0x10] =	vst v1;
	v1 =	vld [tilespmem:s12+$0x20]  }
0xbd: {  	v2 =	vld [tilespmem:s13+$0x20];
	_ =	sdelay $0x4  }
0xbe: {  	v1 =	vmul.f32 v2, v1;
	_ =	sdelay $0x1  }
0xbf: {  	[tilespmem:s12+$0x20] =	vst v1;
	v1 =	vld [tilespmem:s12+$0x30]  }
0xc0: {  	v2 =	vld [tilespmem:s13+$0x30];
	_ =	sdelay $0x4  }
0xc1: {  	v1 =	vmul.f32 v2, v1;
	_ =	sdelay $0x1  }
0xc2: {  	[tilespmem:s12+$0x30] =	vst v1;
	v1 =	vld [tilespmem:s12+$0x40]  }
0xc3: {  	v2 =	vld [tilespmem:s13+$0x40];
	_ =	sdelay $0x4  }
0xc4: {  	v1 =	vmul.f32 v2, v1;
	_ =	sdelay $0x1  }
0xc5: {  	[tilespmem:s12+$0x40] =	vst v1;
	v1 =	vld [tilespmem:s12+$0x50]  }
0xc6: {  	v2 =	vld [tilespmem:s13+$0x50];
	_ =	sdelay $0x4  }
0xc7: {  	v1 =	vmul.f32 v2, v1;
	_ =	sdelay $0x1  }
0xc8: {  	[tilespmem:s12+$0x50] =	vst v1;
	v1 =	vld [tilespmem:s12+$0x60]  }
0xc9: {  	v2 =	vld [tilespmem:s13+$0x60];
	_ =	sdelay $0x4  }
0xca: {  	v1 =	vmul.f32 v2, v1;
	_ =	sdelay $0x1  }
0xcb: {  	[tilespmem:s12+$0x60] =	vst v1;
	v1 =	vld [tilespmem:s12+$0x70]  }
0xcc: {  	v2 =	vld [tilespmem:s13+$0x70];
	_ =	sdelay $0x4  }
0xcd: {  	v1 =	vmul.f32 v2, v1  }
0xce: {  	s21 =	simm.s32 $0x380;
	s9 =	simm.s32 $0x0  }
.LBB2_5:
0xcf: {  	v2 =	vld [tilespmem:s21+$0xFFFFFF80];
	[tilespmem:s12+$0x70] =	vst v1;
	s13 =	sadd.s32 $0x100, s13;
	s12 =	smov.u32 s21  }
0xd0: {  	s9 =	sadd.s32 $0x2, s9;
	v1 =	vld [tilespmem:s13+$0xFFFFFF80]  }
0xd1: {  	p2 =	slt.u32 s9, $0x4E;
	_ =	sdelay $0x3  }
0xd2: {  	v1 =	vmul.f32 v1, v2;
	_ =	sdelay $0x1  }
0xd3: {  	[tilespmem:s21+$0xFFFFFF80] =	vst v1;
	v1 =	vld [tilespmem:s21+$0xFFFFFF90]  }
0xd4: {  	v2 =	vld [tilespmem:s13+$0xFFFFFF90];
	_ =	sdelay $0x4  }
0xd5: {  	v1 =	vmul.f32 v2, v1;
	_ =	sdelay $0x1  }
0xd6: {  	[tilespmem:s21+$0xFFFFFF90] =	vst v1;
	v1 =	vld [tilespmem:s21+$0xFFFFFFA0]  }
0xd7: {  	v2 =	vld [tilespmem:s13+$0xFFFFFFA0];
	_ =	sdelay $0x4  }
0xd8: {  	v1 =	vmul.f32 v2, v1;
	_ =	sdelay $0x1  }
0xd9: {  	[tilespmem:s21+$0xFFFFFFA0] =	vst v1;
	v1 =	vld [tilespmem:s21+$0xFFFFFFB0]  }
0xda: {  	v2 =	vld [tilespmem:s13+$0xFFFFFFB0];
	_ =	sdelay $0x4  }
0xdb: {  	v1 =	vmul.f32 v2, v1;
	_ =	sdelay $0x1  }
0xdc: {  	[tilespmem:s21+$0xFFFFFFB0] =	vst v1;
	v1 =	vld [tilespmem:s21+$0xFFFFFFC0]  }
0xdd: {  	v2 =	vld [tilespmem:s13+$0xFFFFFFC0];
	_ =	sdelay $0x4  }
0xde: {  	v1 =	vmul.f32 v2, v1;
	_ =	sdelay $0x1  }
0xdf: {  	[tilespmem:s21+$0xFFFFFFC0] =	vst v1;
	v1 =	vld [tilespmem:s21+$0xFFFFFFD0]  }
0xe0: {  	v2 =	vld [tilespmem:s13+$0xFFFFFFD0];
	_ =	sdelay $0x4  }
0xe1: {  	v1 =	vmul.f32 v2, v1;
	_ =	sdelay $0x1  }
0xe2: {  	[tilespmem:s21+$0xFFFFFFD0] =	vst v1;
	v1 =	vld [tilespmem:s21+$0xFFFFFFE0]  }
0xe3: {  	v2 =	vld [tilespmem:s13+$0xFFFFFFE0];
	_ =	sdelay $0x4  }
0xe4: {  	v1 =	vmul.f32 v2, v1;
	_ =	sdelay $0x1  }
0xe5: {  	[tilespmem:s21+$0xFFFFFFE0] =	vst v1;
	v1 =	vld [tilespmem:s21+$0xFFFFFFF0]  }
0xe6: {  	v2 =	vld [tilespmem:s13+$0xFFFFFFF0];
	_ =	sdelay $0x4  }
0xe7: {  	v1 =	vmul.f32 v2, v1;
	_ =	sdelay $0x1  }
0xe8: {  	[tilespmem:s21+$0xFFFFFFF0] =	vst v1;
	v1 =	vld [tilespmem:s21+$0x0]  }
0xe9: {  	v2 =	vld [tilespmem:s13+$0x0];
	_ =	sdelay $0x4  }
0xea: {  	v1 =	vmul.f32 v2, v1;
	_ =	sdelay $0x1  }
0xeb: {  	[tilespmem:s21+$0x0] =	vst v1;
	v1 =	vld [tilespmem:s21+$0x10]  }
0xec: {  	v2 =	vld [tilespmem:s13+$0x10];
	_ =	sdelay $0x4  }
0xed: {  	v1 =	vmul.f32 v2, v1;
	_ =	sdelay $0x1  }
0xee: {  	[tilespmem:s21+$0x10] =	vst v1;
	v1 =	vld [tilespmem:s21+$0x20]  }
0xef: {  	v2 =	vld [tilespmem:s13+$0x20];
	_ =	sdelay $0x4  }
0xf0: {  	v1 =	vmul.f32 v2, v1;
	_ =	sdelay $0x1  }
0xf1: {  	[tilespmem:s21+$0x20] =	vst v1;
	v1 =	vld [tilespmem:s21+$0x30]  }
0xf2: {  	v2 =	vld [tilespmem:s13+$0x30];
	_ =	sdelay $0x4  }
0xf3: {  	v1 =	vmul.f32 v2, v1;
	_ =	sdelay $0x1  }
0xf4: {  	[tilespmem:s21+$0x30] =	vst v1;
	v1 =	vld [tilespmem:s21+$0x40]  }
0xf5: {  	v2 =	vld [tilespmem:s13+$0x40];
	_ =	sdelay $0x4  }
0xf6: {  	v1 =	vmul.f32 v2, v1;
	_ =	sdelay $0x1  }
0xf7: {  	[tilespmem:s21+$0x40] =	vst v1;
	v1 =	vld [tilespmem:s21+$0x50]  }
0xf8: {  	v2 =	vld [tilespmem:s13+$0x50];
	_ =	sdelay $0x4  }
0xf9: {  	v1 =	vmul.f32 v2, v1;
	_ =	sdelay $0x1  }
0xfa: {  	[tilespmem:s21+$0x50] =	vst v1;
	v1 =	vld [tilespmem:s21+$0x60]  }
0xfb: {  	v2 =	vld [tilespmem:s13+$0x60];
	_ =	sdelay $0x4  }
0xfc: {  	v1 =	vmul.f32 v2, v1;
	_ =	sdelay $0x1  }
0xfd: {  	[tilespmem:s21+$0x60] =	vst v1;
	v1 =	vld [tilespmem:s21+$0x70]  }
0xfe: {  	v2 =	vld [tilespmem:s13+$0x70];
	_ =	sdelay $0x1  }
.Ltmp3:
0xff: {  	(pc) =	sbr.rel @p2 .LBB2_5-.Ltmp3, $3  }
0x100: {  	_ =	sdelay $0x1  }
0x101: {  	v1 =	vmul.f32 v2, v1  }
0x102: {  	s21 =	sadd.s32 $0x100, s21  }
0x103: {  	[tilespmem:s12+$0x70] =	vst v1;
	p2 =	seq.s32 s3, $0x7C  }
0x104: {  	[spmem:s1] =	stream.indirect.scatter.add.f32 [tilespmem:s23], [sflag:$0x7], $0x80, s18, s22, $0xb8;
	[tilespmem:$0x1E200] =	vst v63  }
0x105: {  	s9 =	sadd.s32 @!p2 $0xA0, s10  }
0x106: {  	_ =	swait.ge [sflag:s17], $0x2800;
	s12 =	sadd.s32 @!p2 s8, s9  }
0x107: {  	[sflag:s17] =	ssyncset.done $0x0;
	s12 =	sshrl.u32 @!p2 s12, $0x3  }
0x108: {  	s21 =	simm.s32 @!p2 $0x0;
	[sflag:s17] =	ssyncadd.s32 $0xFFFFD800;
	s13 =	sadd.s32 @!p2 s6, s12  }
0x109: {  	[tilespmem:s21], [sflag:$0x5] =	stream.linear.gather @!p2 [hbm4b:s13+s21], $0x50, $0x38;
	[tilespmem:$0x1E200] =	vst v63  }
0x10a: {  	s12 =	sadd.s32 @!p2 s7, s12;
	s13 =	simm.s32 @!p2 $0x100  }
0x10b: {  	[tilespmem:s13], [sflag:$0x5] =	stream.linear.gather @!p2 [hbm4b:s12+s21], $0x50, $0x38;
	[tilespmem:$0x1E200] =	vst v63  }
0x10c: {  	s12 =	simm.s32 @!p2 $0x5  }
0x10d: {  	_ =	swait.ge @!p2 [sflag:s12], $0x50  }
0x10e: {  	[sflag:s12] =	ssyncset.done @!p2 $0x0  }
0x10f: {  	[sflag:s12] =	ssyncadd.s32 @!p2 $0xFFFFFFB0  }
0x110: {  	s9 =	sadd.s32 @!p2 s11, s9;
	_ =	swait.ge @!p2 [sflag:s12], $0x50  }
0x111: {  	s9 =	sshll.u32 @!p2 s9, $0x4;
	[sflag:s12] =	ssyncset.done @!p2 $0x0  }
0x112: {  	s13 =	simm.s32 @!p2 $0x200;
	[sflag:s12] =	ssyncadd.s32 @!p2 $0xFFFFFFB0;
	s12 =	simm.s32 @!p2 $0x50  }
0x113: {  	[tilespmem:s13], [sflag:$0x1] =	stream.indirect.gather @!p2 [hbm4b:s4+s12], $0x80, s21, s12, $0xb8;
	[tilespmem:$0x1E200] =	vst v63  }
0x114: {  	s9 =	sadd.s32 @!p2 s5, s9;
	s12 =	simm.s32 @!p2 $0x5200  }
0x115: {  	[tilespmem:s12], [sflag:$0x3] =	stream.linear.gather @!p2 [hbm4b:s9+s21], $0x2800, $0x38;
	[tilespmem:$0x1E200] =	vst v63  }
0x116: {  	_ =	swait.ge [sflag:s30], $0x2800  }
0x117: {  	[sflag:s30] =	ssyncset.done $0x0  }
0x118: {  	[sflag:s30] =	ssyncadd.s32 $0xFFFFD800  }
0x119: {  	_ =	swait.ge [sflag:s31], $0x2800  }
0x11a: {  	[sflag:s31] =	ssyncset.done $0x0  }
0x11b: {  	s12 =	simm.s32 $0x2A80;
	[sflag:s31] =	ssyncadd.s32 $0xFFFFD800  }
0x11c: {  	s13 =	simm.s32 $0x7A80;
	v1 =	vld [tilespmem:s12+$0xFFFFFF80]  }
0x11d: {  	v2 =	vld [tilespmem:s13+$0xFFFFFF80];
	_ =	sdelay $0x4  }
0x11e: {  	v1 =	vmul.f32 v2, v1;
	_ =	sdelay $0x1  }
0x11f: {  	[tilespmem:s12+$0xFFFFFF80] =	vst v1;
	v1 =	vld [tilespmem:s12+$0xFFFFFF90]  }
0x120: {  	v2 =	vld [tilespmem:s13+$0xFFFFFF90];
	_ =	sdelay $0x4  }
0x121: {  	v1 =	vmul.f32 v2, v1;
	_ =	sdelay $0x1  }
0x122: {  	[tilespmem:s12+$0xFFFFFF90] =	vst v1;
	v1 =	vld [tilespmem:s12+$0xFFFFFFA0]  }
0x123: {  	v2 =	vld [tilespmem:s13+$0xFFFFFFA0];
	_ =	sdelay $0x4  }
0x124: {  	v1 =	vmul.f32 v2, v1;
	_ =	sdelay $0x1  }
0x125: {  	[tilespmem:s12+$0xFFFFFFA0] =	vst v1;
	v1 =	vld [tilespmem:s12+$0xFFFFFFB0]  }
0x126: {  	v2 =	vld [tilespmem:s13+$0xFFFFFFB0];
	_ =	sdelay $0x4  }
0x127: {  	v1 =	vmul.f32 v2, v1;
	_ =	sdelay $0x1  }
0x128: {  	[tilespmem:s12+$0xFFFFFFB0] =	vst v1;
	v1 =	vld [tilespmem:s12+$0xFFFFFFC0]  }
0x129: {  	v2 =	vld [tilespmem:s13+$0xFFFFFFC0];
	_ =	sdelay $0x4  }
0x12a: {  	v1 =	vmul.f32 v2, v1;
	_ =	sdelay $0x1  }
0x12b: {  	[tilespmem:s12+$0xFFFFFFC0] =	vst v1;
	v1 =	vld [tilespmem:s12+$0xFFFFFFD0]  }
0x12c: {  	v2 =	vld [tilespmem:s13+$0xFFFFFFD0];
	_ =	sdelay $0x4  }
0x12d: {  	v1 =	vmul.f32 v2, v1;
	_ =	sdelay $0x1  }
0x12e: {  	[tilespmem:s12+$0xFFFFFFD0] =	vst v1;
	v1 =	vld [tilespmem:s12+$0xFFFFFFE0]  }
0x12f: {  	v2 =	vld [tilespmem:s13+$0xFFFFFFE0];
	_ =	sdelay $0x4  }
0x130: {  	v1 =	vmul.f32 v2, v1;
	_ =	sdelay $0x1  }
0x131: {  	[tilespmem:s12+$0xFFFFFFE0] =	vst v1;
	v1 =	vld [tilespmem:s12+$0xFFFFFFF0]  }
0x132: {  	v2 =	vld [tilespmem:s13+$0xFFFFFFF0];
	_ =	sdelay $0x4  }
0x133: {  	v1 =	vmul.f32 v2, v1;
	_ =	sdelay $0x1  }
0x134: {  	[tilespmem:s12+$0xFFFFFFF0] =	vst v1;
	v1 =	vld [tilespmem:s12+$0x0]  }
0x135: {  	v2 =	vld [tilespmem:s13+$0x0];
	_ =	sdelay $0x4  }
0x136: {  	v1 =	vmul.f32 v2, v1;
	_ =	sdelay $0x1  }
0x137: {  	[tilespmem:s12+$0x0] =	vst v1;
	v1 =	vld [tilespmem:s12+$0x10]  }
0x138: {  	v2 =	vld [tilespmem:s13+$0x10];
	_ =	sdelay $0x4  }
0x139: {  	v1 =	vmul.f32 v2, v1;
	_ =	sdelay $0x1  }
0x13a: {  	[tilespmem:s12+$0x10] =	vst v1;
	v1 =	vld [tilespmem:s12+$0x20]  }
0x13b: {  	v2 =	vld [tilespmem:s13+$0x20];
	_ =	sdelay $0x4  }
0x13c: {  	v1 =	vmul.f32 v2, v1;
	_ =	sdelay $0x1  }
0x13d: {  	[tilespmem:s12+$0x20] =	vst v1;
	v1 =	vld [tilespmem:s12+$0x30]  }
0x13e: {  	v2 =	vld [tilespmem:s13+$0x30];
	_ =	sdelay $0x4  }
0x13f: {  	v1 =	vmul.f32 v2, v1;
	_ =	sdelay $0x1  }
0x140: {  	[tilespmem:s12+$0x30] =	vst v1;
	v1 =	vld [tilespmem:s12+$0x40]  }
0x141: {  	v2 =	vld [tilespmem:s13+$0x40];
	_ =	sdelay $0x4  }
0x142: {  	v1 =	vmul.f32 v2, v1;
	_ =	sdelay $0x1  }
0x143: {  	[tilespmem:s12+$0x40] =	vst v1;
	v1 =	vld [tilespmem:s12+$0x50]  }
0x144: {  	v2 =	vld [tilespmem:s13+$0x50];
	_ =	sdelay $0x4  }
0x145: {  	v1 =	vmul.f32 v2, v1;
	_ =	sdelay $0x1  }
0x146: {  	[tilespmem:s12+$0x50] =	vst v1;
	v1 =	vld [tilespmem:s12+$0x60]  }
0x147: {  	v2 =	vld [tilespmem:s13+$0x60];
	_ =	sdelay $0x4  }
0x148: {  	v1 =	vmul.f32 v2, v1;
	_ =	sdelay $0x1  }
0x149: {  	[tilespmem:s12+$0x60] =	vst v1;
	v1 =	vld [tilespmem:s12+$0x70]  }
0x14a: {  	v2 =	vld [tilespmem:s13+$0x70];
	_ =	sdelay $0x4  }
0x14b: {  	v1 =	vmul.f32 v2, v1  }
0x14c: {  	s9 =	simm.s32 $0x0;
	s21 =	simm.s32 $0x2B80  }
.LBB2_7:
0x14d: {  	v2 =	vld [tilespmem:s21+$0xFFFFFF80];
	[tilespmem:s12+$0x70] =	vst v1;
	s13 =	sadd.s32 $0x100, s13;
	s12 =	smov.u32 s21  }
0x14e: {  	s9 =	sadd.s32 $0x2, s9;
	v1 =	vld [tilespmem:s13+$0xFFFFFF80]  }
0x14f: {  	p3 =	slt.u32 s9, $0x4E;
	_ =	sdelay $0x3  }
0x150: {  	v1 =	vmul.f32 v1, v2;
	_ =	sdelay $0x1  }
0x151: {  	[tilespmem:s21+$0xFFFFFF80] =	vst v1;
	v1 =	vld [tilespmem:s21+$0xFFFFFF90]  }
0x152: {  	v2 =	vld [tilespmem:s13+$0xFFFFFF90];
	_ =	sdelay $0x4  }
0x153: {  	v1 =	vmul.f32 v2, v1;
	_ =	sdelay $0x1  }
0x154: {  	[tilespmem:s21+$0xFFFFFF90] =	vst v1;
	v1 =	vld [tilespmem:s21+$0xFFFFFFA0]  }
0x155: {  	v2 =	vld [tilespmem:s13+$0xFFFFFFA0];
	_ =	sdelay $0x4  }
0x156: {  	v1 =	vmul.f32 v2, v1;
	_ =	sdelay $0x1  }
0x157: {  	[tilespmem:s21+$0xFFFFFFA0] =	vst v1;
	v1 =	vld [tilespmem:s21+$0xFFFFFFB0]  }
0x158: {  	v2 =	vld [tilespmem:s13+$0xFFFFFFB0];
	_ =	sdelay $0x4  }
0x159: {  	v1 =	vmul.f32 v2, v1;
	_ =	sdelay $0x1  }
0x15a: {  	[tilespmem:s21+$0xFFFFFFB0] =	vst v1;
	v1 =	vld [tilespmem:s21+$0xFFFFFFC0]  }
0x15b: {  	v2 =	vld [tilespmem:s13+$0xFFFFFFC0];
	_ =	sdelay $0x4  }
0x15c: {  	v1 =	vmul.f32 v2, v1;
	_ =	sdelay $0x1  }
0x15d: {  	[tilespmem:s21+$0xFFFFFFC0] =	vst v1;
	v1 =	vld [tilespmem:s21+$0xFFFFFFD0]  }
0x15e: {  	v2 =	vld [tilespmem:s13+$0xFFFFFFD0];
	_ =	sdelay $0x4  }
0x15f: {  	v1 =	vmul.f32 v2, v1;
	_ =	sdelay $0x1  }
0x160: {  	[tilespmem:s21+$0xFFFFFFD0] =	vst v1;
	v1 =	vld [tilespmem:s21+$0xFFFFFFE0]  }
0x161: {  	v2 =	vld [tilespmem:s13+$0xFFFFFFE0];
	_ =	sdelay $0x4  }
0x162: {  	v1 =	vmul.f32 v2, v1;
	_ =	sdelay $0x1  }
0x163: {  	[tilespmem:s21+$0xFFFFFFE0] =	vst v1;
	v1 =	vld [tilespmem:s21+$0xFFFFFFF0]  }
0x164: {  	v2 =	vld [tilespmem:s13+$0xFFFFFFF0];
	_ =	sdelay $0x4  }
0x165: {  	v1 =	vmul.f32 v2, v1;
	_ =	sdelay $0x1  }
0x166: {  	[tilespmem:s21+$0xFFFFFFF0] =	vst v1;
	v1 =	vld [tilespmem:s21+$0x0]  }
0x167: {  	v2 =	vld [tilespmem:s13+$0x0];
	_ =	sdelay $0x4  }
0x168: {  	v1 =	vmul.f32 v2, v1;
	_ =	sdelay $0x1  }
0x169: {  	[tilespmem:s21+$0x0] =	vst v1;
	v1 =	vld [tilespmem:s21+$0x10]  }
0x16a: {  	v2 =	vld [tilespmem:s13+$0x10];
	_ =	sdelay $0x4  }
0x16b: {  	v1 =	vmul.f32 v2, v1;
	_ =	sdelay $0x1  }
0x16c: {  	[tilespmem:s21+$0x10] =	vst v1;
	v1 =	vld [tilespmem:s21+$0x20]  }
0x16d: {  	v2 =	vld [tilespmem:s13+$0x20];
	_ =	sdelay $0x4  }
0x16e: {  	v1 =	vmul.f32 v2, v1;
	_ =	sdelay $0x1  }
0x16f: {  	[tilespmem:s21+$0x20] =	vst v1;
	v1 =	vld [tilespmem:s21+$0x30]  }
0x170: {  	v2 =	vld [tilespmem:s13+$0x30];
	_ =	sdelay $0x4  }
0x171: {  	v1 =	vmul.f32 v2, v1;
	_ =	sdelay $0x1  }
0x172: {  	[tilespmem:s21+$0x30] =	vst v1;
	v1 =	vld [tilespmem:s21+$0x40]  }
0x173: {  	v2 =	vld [tilespmem:s13+$0x40];
	_ =	sdelay $0x4  }
0x174: {  	v1 =	vmul.f32 v2, v1;
	_ =	sdelay $0x1  }
0x175: {  	[tilespmem:s21+$0x40] =	vst v1;
	v1 =	vld [tilespmem:s21+$0x50]  }
0x176: {  	v2 =	vld [tilespmem:s13+$0x50];
	_ =	sdelay $0x4  }
0x177: {  	v1 =	vmul.f32 v2, v1;
	_ =	sdelay $0x1  }
0x178: {  	[tilespmem:s21+$0x50] =	vst v1;
	v1 =	vld [tilespmem:s21+$0x60]  }
0x179: {  	v2 =	vld [tilespmem:s13+$0x60];
	_ =	sdelay $0x4  }
0x17a: {  	v1 =	vmul.f32 v2, v1;
	_ =	sdelay $0x1  }
0x17b: {  	[tilespmem:s21+$0x60] =	vst v1;
	v1 =	vld [tilespmem:s21+$0x70]  }
0x17c: {  	v2 =	vld [tilespmem:s13+$0x70];
	_ =	sdelay $0x1  }
.Ltmp4:
0x17d: {  	(pc) =	sbr.rel @p3 .LBB2_7-.Ltmp4, $3  }
0x17e: {  	_ =	sdelay $0x1  }
0x17f: {  	v1 =	vmul.f32 v2, v1  }
0x180: {  	s21 =	sadd.s32 $0x100, s21  }
.Ltmp5:
0x181: {  	[tilespmem:s12+$0x70] =	vst v1;
	(pc) =	sbr.rel @p2 .LBB2_10-.Ltmp5, $4  }
0x182: {  	[spmem:s1] =	stream.indirect.scatter.add.f32 [tilespmem:s25], [sflag:$0x7], $0x80, s20, s22, $0xb8;
	[tilespmem:$0x1E200] =	vst v63  }
0x183: {  	_ =	swait.ge [sflag:s17], $0x2800  }
0x184: {  	[sflag:s17] =	ssyncset.done $0x0  }
0x185: {  	[sflag:s17] =	ssyncadd.s32 $0xFFFFD800  }
0x186: {  	s9 =	sadd.s32 s10, s15  }
.Ltmp6:
0x187: {  	s9 =	sshrl.u32 s9, $0x3;
	(pc) =	sbr.rel .LBB2_4-.Ltmp6, $4  }
0x188: {  	s21 =	sadd.s32 s6, s9  }
0x189: {  	[tilespmem:s19], [sflag:$0x6] =	stream.linear.gather [hbm4b:s21+s2], $0x50, $0x38;
	[tilespmem:$0x1E200] =	vst v63  }
0x18a: {  	s3 =	sadd.s32 $0x1, s3;
	s9 =	sadd.s32 s7, s9  }
0x18b: {  	[tilespmem:s20], [sflag:$0x6] =	stream.linear.gather [hbm4b:s9+s2], $0x50, $0x38;
	[tilespmem:$0x1E200] =	vst v63  }
.LBB2_11:
0x18c: {  	_ =	sfence.sel $0x180000  }
0x18d: {  	[bflag:$0x0] =	sbarrier.arrive $0xFFFF  }
0x18e: {  	_ =	strace $0x90000047  }
0x18f: {  	s0 =	stileid.u32;
	[bflag:$0x2] =	sbarrier.arrive $0xFFFF  }
0x190: {  	p0 =	sne.s32 s0, $0x0;
	s0 =	rddreg [dreg:$0x3]  }
0x191: {  	s0 =	sadd.s32 @!p0 $0x100000, s0  }
0x192: {  	[sflag:s0] =	ssyncadd.tile.s32 @!p0 $0x1;
	_ =	shalt  }
.Lfunc_end2:
_tile_overlayer_lowered:
.L_overlay_start_2:
0x193: {  	(tag) =	ssettag $0x2  }
0x194: {  	s0 =	rddreg [dreg:$0x0];
	s2 =	stileid.u32  }
0x195: {  	s1 =	rddreg [dreg:$0x1];
	p0 =	sne.s32 s2, $0x0  }
0x196: {  	s3 =	rddreg [dreg:$0x2];
	[bflag:$0x3] =	sbarrier.arrive $0xFFFF;
	s2 =	simm.s32 @!p0 $0x1C07  }
0x197: {  	[timem:s3], [sflag:s2] =	dma.local @!p0 [hbm:s0], s1  }
0x198: {  	s0 =	simm.s32 @!p0 $0x7  }
0x199: {  	_ =	swait.ge @!p0 [sflag:s0], s1  }
0x19a: {  	s1 =	ssub.s32 @!p0 $0x0, s1;
	[sflag:s0] =	ssyncset.done @!p0 $0x0  }
0x19b: {  	[sflag:s0] =	ssyncadd.s32 @!p0 s1  }
0x19c: {  	[bflag:$0x3] =	sbarrier.arrive $0xFFFF  }
0x19d: {  	_ =	shalt  }

</sc_bundles>
